<compile_context>
chip_gen: v7x
topology: tpu7x:2x2x1
jax: 0.10.2.dev20260603
libtpu: 0.0.44.dev20260713+nightly
codegen_flags: <defaults>
</compile_context>

<pallas_src>
import jax
import jax.numpy as jnp
from jax.experimental import pallas as pl
from jax.experimental.pallas import tpu as pltpu

_THRESH = 0.7
_B = 128
_NB = 32
_NPAD = _B * _NB
_NSEL = 4000
_NLVL = 4
_TOPK = 1000


def _nms_body(boxes_ref, bt_ref, out_ref, keep_ref, ov_ref):
    col = jax.lax.broadcasted_iota(jnp.int32, (1, _NPAD), 1)
    bx1 = bt_ref[0:1, :]
    by1 = bt_ref[1:2, :]
    bx2 = bt_ref[2:3, :]
    by2 = bt_ref[3:4, :]
    area_b = (bx2 - bx1) * (by2 - by1)
    keep_ref[...] = jnp.ones((1, _NPAD), jnp.float32)

    def outer(i, _):
        a = boxes_ref[pl.ds(i * _B, _B), :]
        ax1 = a[:, 0:1]
        ay1 = a[:, 1:2]
        ax2 = a[:, 2:3]
        ay2 = a[:, 3:4]
        area_a = (ax2 - ax1) * (ay2 - ay1)
        iw = jnp.maximum(jnp.minimum(ax2, bx2) - jnp.maximum(ax1, bx1), 0.0)
        ih = jnp.maximum(jnp.minimum(ay2, by2) - jnp.maximum(ay1, by1), 0.0)
        inter = iw * ih
        iou = inter / (area_a + area_b - inter + 1e-9)
        over = (iou > _THRESH).astype(jnp.bfloat16)
        gx1 = bt_ref[0:1, pl.ds(i * _B, _B)]
        gy1 = bt_ref[1:2, pl.ds(i * _B, _B)]
        gx2 = bt_ref[2:3, pl.ds(i * _B, _B)]
        gy2 = bt_ref[3:4, pl.ds(i * _B, _B)]
        garea = (gx2 - gx1) * (gy2 - gy1)
        giw = jnp.maximum(jnp.minimum(ax2, gx2) - jnp.maximum(ax1, gx1), 0.0)
        gih = jnp.maximum(jnp.minimum(ay2, gy2) - jnp.maximum(ay1, gy1), 0.0)
        ginter = giw * gih
        giou = ginter / (area_a + garea - ginter + 1e-9)
        gov = giou > _THRESH
        rowid = jax.lax.broadcasted_iota(jnp.int32, (_B, _B), 0)
        colid = jax.lax.broadcasted_iota(jnp.int32, (_B, _B), 1)
        ovm = jnp.where(gov & (colid > rowid), 1.0, 0.0)
        ov_ref[...] = ovm
        kb = keep_ref[0:1, pl.ds(i * _B, _B)]

        def inner(r, kb):
            row = ov_ref[pl.ds(r, 1), :]
            kr = pltpu.roll(kb, -r, axis=1)[0:1, 0:1]
            return kb * (1.0 - row * kr)

        def band(lo):
            def run(k):
                return jax.lax.fori_loop(lo, lo + 32, inner, k, unroll=8)
            return run

        for c in range(_B // 32):
            bsum = jnp.sum(ovm[c * 32:(c + 1) * 32, :])
            kb = jax.lax.cond(bsum > 0.0, band(c * 32), lambda k: k, kb)
        cnt = jnp.dot(kb.astype(jnp.bfloat16), over,
                      preferred_element_type=jnp.float32)
        keep_ref[...] = jnp.where((cnt > 0.0) & (col >= (i + 1) * _B), 0.0,
                                  keep_ref[...])
        keep_ref[0:1, pl.ds(i * _B, _B)] = kb
        return 0

    jax.lax.fori_loop(0, _NB, outer, 0)
    out_ref[...] = keep_ref[...]


def _run_nms(shifted_pad):
    bt = shifted_pad.T
    keep = pl.pallas_call(
        _nms_body,
        out_shape=jax.ShapeDtypeStruct((1, _NPAD), jnp.float32),
        scratch_shapes=[
            pltpu.VMEM((1, _NPAD), jnp.float32),
            pltpu.VMEM((_B, _B), jnp.float32),
        ],
    )(shifted_pad, bt)
    return keep[0, :_NSEL] > 0.5


def kernel(logits, rois, levels, n_pre_nms, n_post_nms):
    n = logits.shape[0]
    scores = jax.nn.softmax(logits, axis=1)[:, 1]
    idx = jnp.arange(n, dtype=jnp.int32)
    packed = (levels << 16) | idx
    _, spacked = jax.lax.sort((-scores, packed), num_keys=2, is_stable=True)
    slvl = spacked >> 16
    oh = (slvl[:, None] == jnp.arange(_NLVL, dtype=slvl.dtype)[None, :])
    csum = jnp.cumsum(oh.astype(jnp.int32), axis=0)
    rank = jnp.sum(jnp.where(oh, csum, 0), axis=1)
    selpos = jnp.nonzero(rank <= _TOPK, size=_NSEL, fill_value=n - 1)[0]
    spsel = spacked[selpos]
    cand = spsel & 0xFFFF
    clvl = spsel >> 16
    cboxes = rois[cand]
    sep = jnp.max(cboxes) + 1.0
    shifted = cboxes + (clvl.astype(cboxes.dtype) * sep)[:, None]
    pad = jnp.zeros((_NPAD - _NSEL, 4), cboxes.dtype)
    keep = _run_nms(jnp.concatenate([shifted, pad], axis=0))
    ar = jnp.arange(_NSEL)
    last_true = jnp.max(jnp.where(keep, ar, -1))
    pos = jnp.nonzero(keep, size=_TOPK, fill_value=last_true)[0]
    final = cand[pos]
    table = jnp.concatenate(
        [logits, rois, levels.astype(jnp.float32)[:, None]], axis=1)
    out = table[final]
    return out[:, 0:2], out[:, 2:6], out[:, 6].astype(levels.dtype)

# --- scband reference (transcript-rebuilt; emitter-appended) ---
"""Pipeline reference for scband-faster-rcnnswin-fpn-66692252172542 (READ-ONLY COPY).

The authoritative reference and input builder live on the scoring server;
editing this copy changes nothing except your own understanding.
"""

import jax, jax.numpy as jnp
import numpy as np

N = 20000
N_LEVELS = 4
THRESH = 0.7


def box_iou(a, b):
    area_a = (a[:, 2] - a[:, 0]) * (a[:, 3] - a[:, 1])
    area_b = (b[:, 2] - b[:, 0]) * (b[:, 3] - b[:, 1])
    lt = jnp.maximum(a[:, None, :2], b[None, :, :2])
    rb = jnp.minimum(a[:, None, 2:], b[None, :, 2:])
    wh = jnp.clip(rb - lt, 0.0, None)
    inter = wh[..., 0] * wh[..., 1]
    return inter / (area_a[:, None] + area_b[None, :] - inter + 1e-9)


def nms(boxes, scores, thresh):
    # greedy NMS: sort by score desc, suppress lower-scored boxes with IoU > thresh
    order = jnp.argsort(-scores)
    b = boxes[order]
    n = b.shape[0]
    iou = box_iou(b, b)
    idx = jnp.arange(n)
    def body(i, keep):
        suppress = (iou[i] > thresh) & (idx > i) & keep[i]
        return keep & (~suppress)
    keep_mask = jax.lax.fori_loop(0, n, body, jnp.ones((n,), dtype=bool))
    return order, keep_mask


def setup_inputs(seed: int = 0):
    key = jax.random.key(seed)
    k1, k2, k3, k4 = jax.random.split(key, 4)
    logits = jax.random.normal(k1, (N, 2), dtype=jnp.float32)
    xy = jax.random.uniform(k2, (N, 2), minval=0.0, maxval=736.0, dtype=jnp.float32)
    wh = jax.random.uniform(k3, (N, 2), minval=16.0, maxval=64.0, dtype=jnp.float32)
    rois = jnp.concatenate([xy, xy + wh], axis=1)
    levels = jnp.sort(jax.random.randint(k4, (N,), 0, N_LEVELS, dtype=jnp.int32))
    return {"logits": logits, "rois": rois, "levels": levels,
            "n_pre_nms": 1000, "n_post_nms": 1000}


def reference(logits, rois, levels, n_pre_nms, n_post_nms):
    # faithful port of FasterRCNNSWinFPN.batch_filter_by_nms
    scores = jax.nn.softmax(logits, axis=1)[:, 1]
    sel_logits, sel_rois, sel_scores, sel_levels = [], [], [], []
    for l in range(N_LEVELS):
        m = levels == l
        s = jnp.where(m, scores, -jnp.inf)
        order = jnp.argsort(-s)[:1000]
        sel_scores.append(scores[order])
        sel_rois.append(rois[order])
        sel_logits.append(logits[order])
        sel_levels.append(jnp.full((order.shape[0],), l, dtype=levels.dtype))
    scores_c = jnp.concatenate(sel_scores, axis=0)
    rois_c = jnp.concatenate(sel_rois, axis=0)
    logits_c = jnp.concatenate(sel_logits, axis=0)
    levels_c = jnp.concatenate(sel_levels, axis=0)
    # shift boxes per level so NMS never merges across FPN levels
    sep = jnp.max(rois_c) + 1.0
    shifted = rois_c + (levels_c.astype(rois_c.dtype) * sep)[:, None]
    order, keep_mask = nms(shifted, scores_c, THRESH)
    last_true = jnp.max(jnp.where(keep_mask, jnp.arange(keep_mask.shape[0]), -1))
    pos = jnp.nonzero(keep_mask, size=1000, fill_value=last_true)[0]
    keep = order[pos]
    keep = keep + 0 * (n_pre_nms + n_post_nms)
    return logits_c[keep], rois_c[keep], levels_c[keep]

if __name__ == "__main__":
    import jax
    _d = setup_inputs()
    print(jax.jit(kernel)(*tuple(_d.values())))

</pallas_src>

<mosaic_0001>
module attributes {stable_mosaic.version = 14 : i64} {
  func.func @_nms_body(%arg0: memref<4096x4xf32, #tpu.memory_space<vmem>>, %arg1: memref<4x4096xf32, #tpu.memory_space<vmem>>, %arg2: memref<1x4096xf32, #tpu.memory_space<vmem>>, %arg3: memref<1x4096xf32, #tpu.memory_space<vmem>>, %arg4: memref<128x128xf32, #tpu.memory_space<vmem>>) attributes {dimension_semantics = [], scalar_prefetch = 0 : i64, scratch_operands = 2 : i64, tpu.core_type = #tpu.core_type<tc>} {
    %iota3A = tpu.iota {dimensions = array<i32: 1>} : vector<1x4096xi32>
    %get3A = arith.constant 0 : index
    %get3A_0 = arith.constant 0 : index
    %get3A_1 = vector.load %arg1[%get3A, %get3A_0] : memref<4x4096xf32, #tpu.memory_space<vmem>>, vector<1x4096xf32>
    %get3A_2 = arith.constant 1 : index
    %get3A_3 = arith.constant 0 : index
    %get3A_4 = vector.load %arg1[%get3A_2, %get3A_3] : memref<4x4096xf32, #tpu.memory_space<vmem>>, vector<1x4096xf32>
    %get3A_5 = arith.constant 2 : index
    %get3A_6 = arith.constant 0 : index
    %get3A_7 = vector.load %arg1[%get3A_5, %get3A_6] : memref<4x4096xf32, #tpu.memory_space<vmem>>, vector<1x4096xf32>
    %get3A_8 = arith.constant 3 : index
    %get3A_9 = arith.constant 0 : index
    %get3A_10 = vector.load %arg1[%get3A_8, %get3A_9] : memref<4x4096xf32, #tpu.memory_space<vmem>>, vector<1x4096xf32>
    %sub3A = arith.subf %get3A_7, %get3A_1 : vector<1x4096xf32>
    %sub3A_11 = arith.subf %get3A_10, %get3A_4 : vector<1x4096xf32>
    %mul3A = arith.mulf %sub3A, %sub3A_11 : vector<1x4096xf32>
    %broadcast_in_dim3A = arith.constant 1.000000e+00 : f32
    %broadcast_in_dim3A_12 = vector.broadcast %broadcast_in_dim3A : f32 to vector<1x4096xf32>
    %swap3A = arith.constant 0 : index
    %swap3A_13 = arith.constant 0 : index
    %swap3A_14 = vector.load %arg3[%swap3A, %swap3A_13] : memref<1x4096xf32, #tpu.memory_space<vmem>>, vector<1x4096xf32>
    tpu.vector_store %arg3[%swap3A, %swap3A_13], %broadcast_in_dim3A_12 {strides = array<i32>} : memref<1x4096xf32, #tpu.memory_space<vmem>>, vector<1x4096xf32>,
    %scan3A = arith.constant 0 : i32
    %scan3A_15 = arith.constant 32 : i32
    %scan3A_16 = arith.addi %scan3A, %scan3A_15 : i32
    %scan3A_17 = arith.constant 1 : i32
    scf.for %scan3A_25 = %scan3A to %scan3A_16 step %scan3A_17  : i32 {
      %mul3A_26 = arith.constant 128 : i32
      %mul3A_27 = arith.muli %scan3A_25, %mul3A_26 : i32
      %get3A_28 = arith.index_cast %mul3A_27 : i32 to index
      %get3A_29 = arith.constant 0 : index
      %get3A_30 = vector.load %arg0[%get3A_28, %get3A_29] : memref<4096x4xf32, #tpu.memory_space<vmem>>, vector<128x4xf32>
      %slice3A = vector.extract_strided_slice %get3A_30 {offsets = [0, 0], sizes = [128, 1], strides = [1, 1]} : vector<128x4xf32> to vector<128x1xf32>
      %slice3A_31 = vector.extract_strided_slice %get3A_30 {offsets = [0, 1], sizes = [128, 1], strides = [1, 1]} : vector<128x4xf32> to vector<128x1xf32>
      %slice3A_32 = vector.extract_strided_slice %get3A_30 {offsets = [0, 2], sizes = [128, 1], strides = [1, 1]} : vector<128x4xf32> to vector<128x1xf32>
      %slice3A_33 = vector.extract_strided_slice %get3A_30 {offsets = [0, 3], sizes = [128, 1], strides = [1, 1]} : vector<128x4xf32> to vector<128x1xf32>
      %sub3A_34 = arith.subf %slice3A_32, %slice3A : vector<128x1xf32>
      %sub3A_35 = arith.subf %slice3A_33, %slice3A_31 : vector<128x1xf32>
      %mul3A_36 = arith.mulf %sub3A_34, %sub3A_35 : vector<128x1xf32>
      %min3A = vector.broadcast %slice3A_32 : vector<128x1xf32> to vector<128x4096xf32>
      %min3A_37 = vector.broadcast %get3A_7 : vector<1x4096xf32> to vector<128x4096xf32>
      %min3A_38 = arith.minimumf %min3A, %min3A_37 : vector<128x4096xf32>
      %max3A = vector.broadcast %slice3A : vector<128x1xf32> to vector<128x4096xf32>
      %max3A_39 = vector.broadcast %get3A_1 : vector<1x4096xf32> to vector<128x4096xf32>
      %max3A_40 = arith.maximumf %max3A, %max3A_39 : vector<128x4096xf32>
      %sub3A_41 = arith.subf %min3A_38, %max3A_40 : vector<128x4096xf32>
      %max3A_42 = arith.constant 0.000000e+00 : f32
      %max3A_43 = vector.broadcast %max3A_42 : f32 to vector<128x4096xf32>
      %max3A_44 = arith.maximumf %sub3A_41, %max3A_43 : vector<128x4096xf32>
      %min3A_45 = vector.broadcast %slice3A_33 : vector<128x1xf32> to vector<128x4096xf32>
      %min3A_46 = vector.broadcast %get3A_10 : vector<1x4096xf32> to vector<128x4096xf32>
      %min3A_47 = arith.minimumf %min3A_45, %min3A_46 : vector<128x4096xf32>
      %max3A_48 = vector.broadcast %slice3A_31 : vector<128x1xf32> to vector<128x4096xf32>
      %max3A_49 = vector.broadcast %get3A_4 : vector<1x4096xf32> to vector<128x4096xf32>
      %max3A_50 = arith.maximumf %max3A_48, %max3A_49 : vector<128x4096xf32>
      %sub3A_51 = arith.subf %min3A_47, %max3A_50 : vector<128x4096xf32>
      %max3A_52 = arith.constant 0.000000e+00 : f32
      %max3A_53 = vector.broadcast %max3A_52 : f32 to vector<128x4096xf32>
      %max3A_54 = arith.maximumf %sub3A_51, %max3A_53 : vector<128x4096xf32>
      %mul3A_55 = arith.mulf %max3A_44, %max3A_54 : vector<128x4096xf32>
      %add3A = vector.broadcast %mul3A_36 : vector<128x1xf32> to vector<128x4096xf32>
      %add3A_56 = vector.broadcast %mul3A : vector<1x4096xf32> to vector<128x4096xf32>
      %add3A_57 = arith.addf %add3A, %add3A_56 : vector<128x4096xf32>
      %sub3A_58 = arith.subf %add3A_57, %mul3A_55 : vector<128x4096xf32>
      %add3A_59 = arith.constant 9.99999971E-10 : f32
      %add3A_60 = vector.broadcast %add3A_59 : f32 to vector<128x4096xf32>
      %add3A_61 = arith.addf %sub3A_58, %add3A_60 : vector<128x4096xf32>
      %div3A = arith.divf %mul3A_55, %add3A_61 : vector<128x4096xf32>
      %gt3A = arith.constant 0.699999988 : f32
      %gt3A_62 = vector.broadcast %gt3A : f32 to vector<128x4096xf32>
      %gt3A_63 = arith.cmpf ogt, %div3A, %gt3A_62 : vector<128x4096xf32>
      %convert_element_type3A = arith.extui %gt3A_63 : vector<128x4096xi1> to vector<128x4096xi32>
      %convert_element_type3A_64 = arith.sitofp %convert_element_type3A : vector<128x4096xi32> to vector<128x4096xf32>
      %convert_element_type3A_65 = arith.truncf %convert_element_type3A_64 : vector<128x4096xf32> to vector<128x4096xbf16>
      %mul3A_66 = arith.constant 128 : i32
      %mul3A_67 = arith.muli %scan3A_25, %mul3A_66 : i32
      %get3A_68 = arith.constant 0 : index
      %get3A_69 = arith.index_cast %mul3A_67 : i32 to index
      %get3A_70 = vector.load %arg1[%get3A_68, %get3A_69] : memref<4x4096xf32, #tpu.memory_space<vmem>>, vector<1x128xf32>
      %mul3A_71 = arith.constant 128 : i32
      %mul3A_72 = arith.muli %scan3A_25, %mul3A_71 : i32
      %get3A_73 = arith.constant 1 : index
      %get3A_74 = arith.index_cast %mul3A_72 : i32 to index
      %get3A_75 = vector.load %arg1[%get3A_73, %get3A_74] : memref<4x4096xf32, #tpu.memory_space<vmem>>, vector<1x128xf32>
      %mul3A_76 = arith.constant 128 : i32
      %mul3A_77 = arith.muli %scan3A_25, %mul3A_76 : i32
      %get3A_78 = arith.constant 2 : index
      %get3A_79 = arith.index_cast %mul3A_77 : i32 to index
      %get3A_80 = vector.load %arg1[%get3A_78, %get3A_79] : memref<4x4096xf32, #tpu.memory_space<vmem>>, vector<1x128xf32>
      %mul3A_81 = arith.constant 128 : i32
      %mul3A_82 = arith.muli %scan3A_25, %mul3A_81 : i32
      %get3A_83 = arith.constant 3 : index
      %get3A_84 = arith.index_cast %mul3A_82 : i32 to index
      %get3A_85 = vector.load %arg1[%get3A_83, %get3A_84] : memref<4x4096xf32, #tpu.memory_space<vmem>>, vector<1x128xf32>
      %sub3A_86 = arith.subf %get3A_80, %get3A_70 : vector<1x128xf32>
      %sub3A_87 = arith.subf %get3A_85, %get3A_75 : vector<1x128xf32>
      %mul3A_88 = arith.mulf %sub3A_86, %sub3A_87 : vector<1x128xf32>
      %min3A_89 = vector.broadcast %slice3A_32 : vector<128x1xf32> to vector<128x128xf32>
      %min3A_90 = vector.broadcast %get3A_80 : vector<1x128xf32> to vector<128x128xf32>
      %min3A_91 = arith.minimumf %min3A_89, %min3A_90 : vector<128x128xf32>
      %max3A_92 = vector.broadcast %slice3A : vector<128x1xf32> to vector<128x128xf32>
      %max3A_93 = vector.broadcast %get3A_70 : vector<1x128xf32> to vector<128x128xf32>
      %max3A_94 = arith.maximumf %max3A_92, %max3A_93 : vector<128x128xf32>
      %sub3A_95 = arith.subf %min3A_91, %max3A_94 : vector<128x128xf32>
      %max3A_96 = arith.constant 0.000000e+00 : f32
      %max3A_97 = vector.broadcast %max3A_96 : f32 to vector<128x128xf32>
      %max3A_98 = arith.maximumf %sub3A_95, %max3A_97 : vector<128x128xf32>
      %min3A_99 = vector.broadcast %slice3A_33 : vector<128x1xf32> to vector<128x128xf32>
      %min3A_100 = vector.broadcast %get3A_85 : vector<1x128xf32> to vector<128x128xf32>
      %min3A_101 = arith.minimumf %min3A_99, %min3A_100 : vector<128x128xf32>
      %max3A_102 = vector.broadcast %slice3A_31 : vector<128x1xf32> to vector<128x128xf32>
      %max3A_103 = vector.broadcast %get3A_75 : vector<1x128xf32> to vector<128x128xf32>
      %max3A_104 = arith.maximumf %max3A_102, %max3A_103 : vector<128x128xf32>
      %sub3A_105 = arith.subf %min3A_101, %max3A_104 : vector<128x128xf32>
      %max3A_106 = arith.constant 0.000000e+00 : f32
      %max3A_107 = vector.broadcast %max3A_106 : f32 to vector<128x128xf32>
      %max3A_108 = arith.maximumf %sub3A_105, %max3A_107 : vector<128x128xf32>
      %mul3A_109 = arith.mulf %max3A_98, %max3A_108 : vector<128x128xf32>
      %add3A_110 = vector.broadcast %mul3A_36 : vector<128x1xf32> to vector<128x128xf32>
      %add3A_111 = vector.broadcast %mul3A_88 : vector<1x128xf32> to vector<128x128xf32>
      %add3A_112 = arith.addf %add3A_110, %add3A_111 : vector<128x128xf32>
      %sub3A_113 = arith.subf %add3A_112, %mul3A_109 : vector<128x128xf32>
      %add3A_114 = arith.constant 9.99999971E-10 : f32
      %add3A_115 = vector.broadcast %add3A_114 : f32 to vector<128x128xf32>
      %add3A_116 = arith.addf %sub3A_113, %add3A_115 : vector<128x128xf32>
      %div3A_117 = arith.divf %mul3A_109, %add3A_116 : vector<128x128xf32>
      %gt3A_118 = arith.constant 0.699999988 : f32
      %gt3A_119 = vector.broadcast %gt3A_118 : f32 to vector<128x128xf32>
      %gt3A_120 = arith.cmpf ogt, %div3A_117, %gt3A_119 : vector<128x128xf32>
      %iota3A_121 = tpu.iota {dimensions = array<i32: 0>} : vector<128x128xi32>
      %iota3A_122 = tpu.iota {dimensions = array<i32: 1>} : vector<128x128xi32>
      %gt3A_123 = arith.cmpi sgt, %iota3A_122, %iota3A_121 : vector<128x128xi32>
      %and3A = arith.andi %gt3A_120, %gt3A_123 : vector<128x128xi1>
      %jit3A = arith.constant 1.000000e+00 : f32
      %jit3A_124 = arith.constant 0.000000e+00 : f32
      %broadcast_in_dim3A_125 = vector.broadcast %jit3A : f32 to vector<128x128xf32>
      %broadcast_in_dim3A_126 = vector.broadcast %jit3A_124 : f32 to vector<128x128xf32>
      %select_n3A = arith.select %and3A, %broadcast_in_dim3A_125, %broadcast_in_dim3A_126 : vector<128x128xi1>, vector<128x128xf32>
      %swap3A_127 = arith.constant 0 : index
      %swap3A_128 = arith.constant 0 : index
      %swap3A_129 = vector.load %arg4[%swap3A_127, %swap3A_128] : memref<128x128xf32, #tpu.memory_space<vmem>>, vector<128x128xf32>
      tpu.vector_store %arg4[%swap3A_127, %swap3A_128], %select_n3A {strides = array<i32>} : memref<128x128xf32, #tpu.memory_space<vmem>>, vector<128x128xf32>,
      %mul3A_130 = arith.constant 128 : i32
      %mul3A_131 = arith.muli %scan3A_25, %mul3A_130 : i32
      %get3A_132 = arith.constant 0 : index
      %get3A_133 = arith.index_cast %mul3A_131 : i32 to index
      %get3A_134 = vector.load %arg3[%get3A_132, %get3A_133] : memref<1x4096xf32, #tpu.memory_space<vmem>>, vector<1x128xf32>
      %slice3A_135 = vector.extract_strided_slice %select_n3A {offsets = [0, 0], sizes = [32, 128], strides = [1, 1]} : vector<128x128xf32> to vector<32x128xf32>
      %reduce_sum3A = vector.shape_cast %slice3A_135 : vector<32x128xf32> to vector<1x32x128xf32>
      %reduce_sum3A_136 = arith.constant dense<0.000000e+00> : vector<1xf32>
      %reduce_sum3A_137 = vector.multi_reduction <add>, %reduce_sum3A, %reduce_sum3A_136 [1, 2] : vector<1x32x128xf32> to vector<1xf32>
      %reduce_sum3A_138 = vector.shape_cast %reduce_sum3A_137 : vector<1xf32> to vector<1x1x1xf32>
      %reduce_sum3A_139 = vector.extract %reduce_sum3A_138[0, 0, 0] : f32 from vector<1x1x1xf32>
      %gt3A_140 = arith.constant 0.000000e+00 : f32
      %gt3A_141 = arith.cmpf ogt, %reduce_sum3A_139, %gt3A_140 : f32
      %convert_element_type3A_142 = arith.extui %gt3A_141 : i1 to i32
      %cond3A = arith.constant 0 : i32
      %cond3A_143 = arith.cmpi ne, %convert_element_type3A_142, %cond3A : i32
      %cond3A_144 = scf.if %cond3A_143 -> (vector<1x128xf32>) {
        %scan3A_206 = arith.constant 0 : i32
        %scan3A_207 = arith.constant 32 : i32
        %scan3A_208 = arith.addi %scan3A_206, %scan3A_207 : i32
        %scan3A_209 = arith.constant 8 : i32
        %scan3A_210 = scf.for %scan3A_212 = %scan3A_206 to %scan3A_208 step %scan3A_209 iter_args(%scan3A_213 = %get3A_134) -> (vector<1x128xf32>)  : i32 {
          %get3A_214 = arith.index_cast %scan3A_212 : i32 to index
          %get3A_215 = arith.constant 0 : index
          %get3A_216 = vector.load %arg4[%get3A_214, %get3A_215] : memref<128x128xf32, #tpu.memory_space<vmem>>, vector<1x128xf32>
          %neg3A = arith.constant 0 : i32
          %neg3A_217 = arith.subi %neg3A, %scan3A_212 : i32
          %roll3A = tpu.dynamic_rotate %scan3A_213 by %neg3A_217 dim 1 : vector<1x128xf32>, i32 -> vector<1x128xf32>
          %slice3A_218 = vector.extract_strided_slice %roll3A {offsets = [0, 0], sizes = [1, 1], strides = [1, 1]} : vector<1x128xf32> to vector<1x1xf32>
          %mul3A_219 = vector.broadcast %slice3A_218 : vector<1x1xf32> to vector<1x128xf32>
          %mul3A_220 = arith.mulf %get3A_216, %mul3A_219 : vector<1x128xf32>
          %sub3A_221 = arith.constant 1.000000e+00 : f32
          %sub3A_222 = vector.broadcast %sub3A_221 : f32 to vector<1x128xf32>
          %sub3A_223 = arith.subf %sub3A_222, %mul3A_220 : vector<1x128xf32>
          %mul3A_224 = arith.mulf %scan3A_213, %sub3A_223 : vector<1x128xf32>
          %scan3A_225 = arith.constant 1 : i32
          %scan3A_226 = arith.addi %scan3A_212, %scan3A_225 : i32
          %get3A_227 = arith.index_cast %scan3A_226 : i32 to index
          %get3A_228 = arith.constant 0 : index
          %get3A_229 = vector.load %arg4[%get3A_227, %get3A_228] : memref<128x128xf32, #tpu.memory_space<vmem>>, vector<1x128xf32>
          %neg3A_230 = arith.constant 0 : i32
          %neg3A_231 = arith.subi %neg3A_230, %scan3A_226 : i32
          %roll3A_232 = tpu.dynamic_rotate %mul3A_224 by %neg3A_231 dim 1 : vector<1x128xf32>, i32 -> vector<1x128xf32>
          %slice3A_233 = vector.extract_strided_slice %roll3A_232 {offsets = [0, 0], sizes = [1, 1], strides = [1, 1]} : vector<1x128xf32> to vector<1x1xf32>
          %mul3A_234 = vector.broadcast %slice3A_233 : vector<1x1xf32> to vector<1x128xf32>
          %mul3A_235 = arith.mulf %get3A_229, %mul3A_234 : vector<1x128xf32>
          %sub3A_236 = arith.constant 1.000000e+00 : f32
          %sub3A_237 = vector.broadcast %sub3A_236 : f32 to vector<1x128xf32>
          %sub3A_238 = arith.subf %sub3A_237, %mul3A_235 : vector<1x128xf32>
          %mul3A_239 = arith.mulf %mul3A_224, %sub3A_238 : vector<1x128xf32>
          %scan3A_240 = arith.constant 2 : i32
          %scan3A_241 = arith.addi %scan3A_212, %scan3A_240 : i32
          %get3A_242 = arith.index_cast %scan3A_241 : i32 to index
          %get3A_243 = arith.constant 0 : index
          %get3A_244 = vector.load %arg4[%get3A_242, %get3A_243] : memref<128x128xf32, #tpu.memory_space<vmem>>, vector<1x128xf32>
          %neg3A_245 = arith.constant 0 : i32
          %neg3A_246 = arith.subi %neg3A_245, %scan3A_241 : i32
          %roll3A_247 = tpu.dynamic_rotate %mul3A_239 by %neg3A_246 dim 1 : vector<1x128xf32>, i32 -> vector<1x128xf32>
          %slice3A_248 = vector.extract_strided_slice %roll3A_247 {offsets = [0, 0], sizes = [1, 1], strides = [1, 1]} : vector<1x128xf32> to vector<1x1xf32>
          %mul3A_249 = vector.broadcast %slice3A_248 : vector<1x1xf32> to vector<1x128xf32>
          %mul3A_250 = arith.mulf %get3A_244, %mul3A_249 : vector<1x128xf32>
          %sub3A_251 = arith.constant 1.000000e+00 : f32
          %sub3A_252 = vector.broadcast %sub3A_251 : f32 to vector<1x128xf32>
          %sub3A_253 = arith.subf %sub3A_252, %mul3A_250 : vector<1x128xf32>
          %mul3A_254 = arith.mulf %mul3A_239, %sub3A_253 : vector<1x128xf32>
          %scan3A_255 = arith.constant 3 : i32
          %scan3A_256 = arith.addi %scan3A_212, %scan3A_255 : i32
          %get3A_257 = arith.index_cast %scan3A_256 : i32 to index
          %get3A_258 = arith.constant 0 : index
          %get3A_259 = vector.load %arg4[%get3A_257, %get3A_258] : memref<128x128xf32, #tpu.memory_space<vmem>>, vector<1x128xf32>
          %neg3A_260 = arith.constant 0 : i32
          %neg3A_261 = arith.subi %neg3A_260, %scan3A_256 : i32
          %roll3A_262 = tpu.dynamic_rotate %mul3A_254 by %neg3A_261 dim 1 : vector<1x128xf32>, i32 -> vector<1x128xf32>
          %slice3A_263 = vector.extract_strided_slice %roll3A_262 {offsets = [0, 0], sizes = [1, 1], strides = [1, 1]} : vector<1x128xf32> to vector<1x1xf32>
          %mul3A_264 = vector.broadcast %slice3A_263 : vector<1x1xf32> to vector<1x128xf32>
          %mul3A_265 = arith.mulf %get3A_259, %mul3A_264 : vector<1x128xf32>
          %sub3A_266 = arith.constant 1.000000e+00 : f32
          %sub3A_267 = vector.broadcast %sub3A_266 : f32 to vector<1x128xf32>
          %sub3A_268 = arith.subf %sub3A_267, %mul3A_265 : vector<1x128xf32>
          %mul3A_269 = arith.mulf %mul3A_254, %sub3A_268 : vector<1x128xf32>
          %scan3A_270 = arith.constant 4 : i32
          %scan3A_271 = arith.addi %scan3A_212, %scan3A_270 : i32
          %get3A_272 = arith.index_cast %scan3A_271 : i32 to index
          %get3A_273 = arith.constant 0 : index
          %get3A_274 = vector.load %arg4[%get3A_272, %get3A_273] : memref<128x128xf32, #tpu.memory_space<vmem>>, vector<1x128xf32>
          %neg3A_275 = arith.constant 0 : i32
          %neg3A_276 = arith.subi %neg3A_275, %scan3A_271 : i32
          %roll3A_277 = tpu.dynamic_rotate %mul3A_269 by %neg3A_276 dim 1 : vector<1x128xf32>, i32 -> vector<1x128xf32>
          %slice3A_278 = vector.extract_strided_slice %roll3A_277 {offsets = [0, 0], sizes = [1, 1], strides = [1, 1]} : vector<1x128xf32> to vector<1x1xf32>
          %mul3A_279 = vector.broadcast %slice3A_278 : vector<1x1xf32> to vector<1x128xf32>
          %mul3A_280 = arith.mulf %get3A_274, %mul3A_279 : vector<1x128xf32>
          %sub3A_281 = arith.constant 1.000000e+00 : f32
          %sub3A_282 = vector.broadcast %sub3A_281 : f32 to vector<1x128xf32>
          %sub3A_283 = arith.subf %sub3A_282, %mul3A_280 : vector<1x128xf32>
          %mul3A_284 = arith.mulf %mul3A_269, %sub3A_283 : vector<1x128xf32>
          %scan3A_285 = arith.constant 5 : i32
          %scan3A_286 = arith.addi %scan3A_212, %scan3A_285 : i32
          %get3A_287 = arith.index_cast %scan3A_286 : i32 to index
          %get3A_288 = arith.constant 0 : index
          %get3A_289 = vector.load %arg4[%get3A_287, %get3A_288] : memref<128x128xf32, #tpu.memory_space<vmem>>, vector<1x128xf32>
          %neg3A_290 = arith.constant 0 : i32
          %neg3A_291 = arith.subi %neg3A_290, %scan3A_286 : i32
          %roll3A_292 = tpu.dynamic_rotate %mul3A_284 by %neg3A_291 dim 1 : vector<1x128xf32>, i32 -> vector<1x128xf32>
          %slice3A_293 = vector.extract_strided_slice %roll3A_292 {offsets = [0, 0], sizes = [1, 1], strides = [1, 1]} : vector<1x128xf32> to vector<1x1xf32>
          %mul3A_294 = vector.broadcast %slice3A_293 : vector<1x1xf32> to vector<1x128xf32>
          %mul3A_295 = arith.mulf %get3A_289, %mul3A_294 : vector<1x128xf32>
          %sub3A_296 = arith.constant 1.000000e+00 : f32
          %sub3A_297 = vector.broadcast %sub3A_296 : f32 to vector<1x128xf32>
          %sub3A_298 = arith.subf %sub3A_297, %mul3A_295 : vector<1x128xf32>
          %mul3A_299 = arith.mulf %mul3A_284, %sub3A_298 : vector<1x128xf32>
          %scan3A_300 = arith.constant 6 : i32
          %scan3A_301 = arith.addi %scan3A_212, %scan3A_300 : i32
          %get3A_302 = arith.index_cast %scan3A_301 : i32 to index
          %get3A_303 = arith.constant 0 : index
          %get3A_304 = vector.load %arg4[%get3A_302, %get3A_303] : memref<128x128xf32, #tpu.memory_space<vmem>>, vector<1x128xf32>
          %neg3A_305 = arith.constant 0 : i32
          %neg3A_306 = arith.subi %neg3A_305, %scan3A_301 : i32
          %roll3A_307 = tpu.dynamic_rotate %mul3A_299 by %neg3A_306 dim 1 : vector<1x128xf32>, i32 -> vector<1x128xf32>
          %slice3A_308 = vector.extract_strided_slice %roll3A_307 {offsets = [0, 0], sizes = [1, 1], strides = [1, 1]} : vector<1x128xf32> to vector<1x1xf32>
          %mul3A_309 = vector.broadcast %slice3A_308 : vector<1x1xf32> to vector<1x128xf32>
          %mul3A_310 = arith.mulf %get3A_304, %mul3A_309 : vector<1x128xf32>
          %sub3A_311 = arith.constant 1.000000e+00 : f32
          %sub3A_312 = vector.broadcast %sub3A_311 : f32 to vector<1x128xf32>
          %sub3A_313 = arith.subf %sub3A_312, %mul3A_310 : vector<1x128xf32>
          %mul3A_314 = arith.mulf %mul3A_299, %sub3A_313 : vector<1x128xf32>
          %scan3A_315 = arith.constant 7 : i32
          %scan3A_316 = arith.addi %scan3A_212, %scan3A_315 : i32
          %get3A_317 = arith.index_cast %scan3A_316 : i32 to index
          %get3A_318 = arith.constant 0 : index
          %get3A_319 = vector.load %arg4[%get3A_317, %get3A_318] : memref<128x128xf32, #tpu.memory_space<vmem>>, vector<1x128xf32>
          %neg3A_320 = arith.constant 0 : i32
          %neg3A_321 = arith.subi %neg3A_320, %scan3A_316 : i32
          %roll3A_322 = tpu.dynamic_rotate %mul3A_314 by %neg3A_321 dim 1 : vector<1x128xf32>, i32 -> vector<1x128xf32>
          %slice3A_323 = vector.extract_strided_slice %roll3A_322 {offsets = [0, 0], sizes = [1, 1], strides = [1, 1]} : vector<1x128xf32> to vector<1x1xf32>
          %mul3A_324 = vector.broadcast %slice3A_323 : vector<1x1xf32> to vector<1x128xf32>
          %mul3A_325 = arith.mulf %get3A_319, %mul3A_324 : vector<1x128xf32>
          %sub3A_326 = arith.constant 1.000000e+00 : f32
          %sub3A_327 = vector.broadcast %sub3A_326 : f32 to vector<1x128xf32>
          %sub3A_328 = arith.subf %sub3A_327, %mul3A_325 : vector<1x128xf32>
          %mul3A_329 = arith.mulf %mul3A_314, %sub3A_328 : vector<1x128xf32>
          scf.yield %mul3A_329 : vector<1x128xf32>
        }
        %scan3A_211 = arith.constant 32 : i32
        scf.yield %scan3A_210 : vector<1x128xf32>
      } else {
        scf.yield %get3A_134 : vector<1x128xf32>
      }
      %slice3A_145 = vector.extract_strided_slice %select_n3A {offsets = [32, 0], sizes = [32, 128], strides = [1, 1]} : vector<128x128xf32> to vector<32x128xf32>
      %reduce_sum3A_146 = vector.shape_cast %slice3A_145 : vector<32x128xf32> to vector<1x32x128xf32>
      %reduce_sum3A_147 = arith.constant dense<0.000000e+00> : vector<1xf32>
      %reduce_sum3A_148 = vector.multi_reduction <add>, %reduce_sum3A_146, %reduce_sum3A_147 [1, 2] : vector<1x32x128xf32> to vector<1xf32>
      %reduce_sum3A_149 = vector.shape_cast %reduce_sum3A_148 : vector<1xf32> to vector<1x1x1xf32>
      %reduce_sum3A_150 = vector.extract %reduce_sum3A_149[0, 0, 0] : f32 from vector<1x1x1xf32>
      %gt3A_151 = arith.constant 0.000000e+00 : f32
      %gt3A_152 = arith.cmpf ogt, %reduce_sum3A_150, %gt3A_151 : f32
      %convert_element_type3A_153 = arith.extui %gt3A_152 : i1 to i32
      %cond3A_154 = arith.constant 0 : i32
      %cond3A_155 = arith.cmpi ne, %convert_element_type3A_153, %cond3A_154 : i32
      %cond3A_156 = scf.if %cond3A_155 -> (vector<1x128xf32>) {
        %scan3A_206 = arith.constant 32 : i32
        %scan3A_207 = arith.constant 32 : i32
        %scan3A_208 = arith.addi %scan3A_206, %scan3A_207 : i32
        %scan3A_209 = arith.constant 8 : i32
        %scan3A_210 = scf.for %scan3A_212 = %scan3A_206 to %scan3A_208 step %scan3A_209 iter_args(%scan3A_213 = %cond3A_144) -> (vector<1x128xf32>)  : i32 {
          %get3A_214 = arith.index_cast %scan3A_212 : i32 to index
          %get3A_215 = arith.constant 0 : index
          %get3A_216 = vector.load %arg4[%get3A_214, %get3A_215] : memref<128x128xf32, #tpu.memory_space<vmem>>, vector<1x128xf32>
          %neg3A = arith.constant 0 : i32
          %neg3A_217 = arith.subi %neg3A, %scan3A_212 : i32
          %roll3A = tpu.dynamic_rotate %scan3A_213 by %neg3A_217 dim 1 : vector<1x128xf32>, i32 -> vector<1x128xf32>
          %slice3A_218 = vector.extract_strided_slice %roll3A {offsets = [0, 0], sizes = [1, 1], strides = [1, 1]} : vector<1x128xf32> to vector<1x1xf32>
          %mul3A_219 = vector.broadcast %slice3A_218 : vector<1x1xf32> to vector<1x128xf32>
          %mul3A_220 = arith.mulf %get3A_216, %mul3A_219 : vector<1x128xf32>
          %sub3A_221 = arith.constant 1.000000e+00 : f32
          %sub3A_222 = vector.broadcast %sub3A_221 : f32 to vector<1x128xf32>
          %sub3A_223 = arith.subf %sub3A_222, %mul3A_220 : vector<1x128xf32>
          %mul3A_224 = arith.mulf %scan3A_213, %sub3A_223 : vector<1x128xf32>
          %scan3A_225 = arith.constant 1 : i32
          %scan3A_226 = arith.addi %scan3A_212, %scan3A_225 : i32
          %get3A_227 = arith.index_cast %scan3A_226 : i32 to index
          %get3A_228 = arith.constant 0 : index
          %get3A_229 = vector.load %arg4[%get3A_227, %get3A_228] : memref<128x128xf32, #tpu.memory_space<vmem>>, vector<1x128xf32>
          %neg3A_230 = arith.constant 0 : i32
          %neg3A_231 = arith.subi %neg3A_230, %scan3A_226 : i32
          %roll3A_232 = tpu.dynamic_rotate %mul3A_224 by %neg3A_231 dim 1 : vector<1x128xf32>, i32 -> vector<1x128xf32>
          %slice3A_233 = vector.extract_strided_slice %roll3A_232 {offsets = [0, 0], sizes = [1, 1], strides = [1, 1]} : vector<1x128xf32> to vector<1x1xf32>
          %mul3A_234 = vector.broadcast %slice3A_233 : vector<1x1xf32> to vector<1x128xf32>
          %mul3A_235 = arith.mulf %get3A_229, %mul3A_234 : vector<1x128xf32>
          %sub3A_236 = arith.constant 1.000000e+00 : f32
          %sub3A_237 = vector.broadcast %sub3A_236 : f32 to vector<1x128xf32>
          %sub3A_238 = arith.subf %sub3A_237, %mul3A_235 : vector<1x128xf32>
          %mul3A_239 = arith.mulf %mul3A_224, %sub3A_238 : vector<1x128xf32>
          %scan3A_240 = arith.constant 2 : i32
          %scan3A_241 = arith.addi %scan3A_212, %scan3A_240 : i32
          %get3A_242 = arith.index_cast %scan3A_241 : i32 to index
          %get3A_243 = arith.constant 0 : index
          %get3A_244 = vector.load %arg4[%get3A_242, %get3A_243] : memref<128x128xf32, #tpu.memory_space<vmem>>, vector<1x128xf32>
          %neg3A_245 = arith.constant 0 : i32
          %neg3A_246 = arith.subi %neg3A_245, %scan3A_241 : i32
          %roll3A_247 = tpu.dynamic_rotate %mul3A_239 by %neg3A_246 dim 1 : vector<1x128xf32>, i32 -> vector<1x128xf32>
          %slice3A_248 = vector.extract_strided_slice %roll3A_247 {offsets = [0, 0], sizes = [1, 1], strides = [1, 1]} : vector<1x128xf32> to vector<1x1xf32>
          %mul3A_249 = vector.broadcast %slice3A_248 : vector<1x1xf32> to vector<1x128xf32>
          %mul3A_250 = arith.mulf %get3A_244, %mul3A_249 : vector<1x128xf32>
          %sub3A_251 = arith.constant 1.000000e+00 : f32
          %sub3A_252 = vector.broadcast %sub3A_251 : f32 to vector<1x128xf32>
          %sub3A_253 = arith.subf %sub3A_252, %mul3A_250 : vector<1x128xf32>
          %mul3A_254 = arith.mulf %mul3A_239, %sub3A_253 : vector<1x128xf32>
          %scan3A_255 = arith.constant 3 : i32
          %scan3A_256 = arith.addi %scan3A_212, %scan3A_255 : i32
          %get3A_257 = arith.index_cast %scan3A_256 : i32 to index
          %get3A_258 = arith.constant 0 : index
          %get3A_259 = vector.load %arg4[%get3A_257, %get3A_258] : memref<128x128xf32, #tpu.memory_space<vmem>>, vector<1x128xf32>
          %neg3A_260 = arith.constant 0 : i32
          %neg3A_261 = arith.subi %neg3A_260, %scan3A_256 : i32
          %roll3A_262 = tpu.dynamic_rotate %mul3A_254 by %neg3A_261 dim 1 : vector<1x128xf32>, i32 -> vector<1x128xf32>
          %slice3A_263 = vector.extract_strided_slice %roll3A_262 {offsets = [0, 0], sizes = [1, 1], strides = [1, 1]} : vector<1x128xf32> to vector<1x1xf32>
          %mul3A_264 = vector.broadcast %slice3A_263 : vector<1x1xf32> to vector<1x128xf32>
          %mul3A_265 = arith.mulf %get3A_259, %mul3A_264 : vector<1x128xf32>
          %sub3A_266 = arith.constant 1.000000e+00 : f32
          %sub3A_267 = vector.broadcast %sub3A_266 : f32 to vector<1x128xf32>
          %sub3A_268 = arith.subf %sub3A_267, %mul3A_265 : vector<1x128xf32>
          %mul3A_269 = arith.mulf %mul3A_254, %sub3A_268 : vector<1x128xf32>
          %scan3A_270 = arith.constant 4 : i32
          %scan3A_271 = arith.addi %scan3A_212, %scan3A_270 : i32
          %get3A_272 = arith.index_cast %scan3A_271 : i32 to index
          %get3A_273 = arith.constant 0 : index
          %get3A_274 = vector.load %arg4[%get3A_272, %get3A_273] : memref<128x128xf32, #tpu.memory_space<vmem>>, vector<1x128xf32>
          %neg3A_275 = arith.constant 0 : i32
          %neg3A_276 = arith.subi %neg3A_275, %scan3A_271 : i32
          %roll3A_277 = tpu.dynamic_rotate %mul3A_269 by %neg3A_276 dim 1 : vector<1x128xf32>, i32 -> vector<1x128xf32>
          %slice3A_278 = vector.extract_strided_slice %roll3A_277 {offsets = [0, 0], sizes = [1, 1], strides = [1, 1]} : vector<1x128xf32> to vector<1x1xf32>
          %mul3A_279 = vector.broadcast %slice3A_278 : vector<1x1xf32> to vector<1x128xf32>
          %mul3A_280 = arith.mulf %get3A_274, %mul3A_279 : vector<1x128xf32>
          %sub3A_281 = arith.constant 1.000000e+00 : f32
          %sub3A_282 = vector.broadcast %sub3A_281 : f32 to vector<1x128xf32>
          %sub3A_283 = arith.subf %sub3A_282, %mul3A_280 : vector<1x128xf32>
          %mul3A_284 = arith.mulf %mul3A_269, %sub3A_283 : vector<1x128xf32>
          %scan3A_285 = arith.constant 5 : i32
          %scan3A_286 = arith.addi %scan3A_212, %scan3A_285 : i32
          %get3A_287 = arith.index_cast %scan3A_286 : i32 to index
          %get3A_288 = arith.constant 0 : index
          %get3A_289 = vector.load %arg4[%get3A_287, %get3A_288] : memref<128x128xf32, #tpu.memory_space<vmem>>, vector<1x128xf32>
          %neg3A_290 = arith.constant 0 : i32
          %neg3A_291 = arith.subi %neg3A_290, %scan3A_286 : i32
          %roll3A_292 = tpu.dynamic_rotate %mul3A_284 by %neg3A_291 dim 1 : vector<1x128xf32>, i32 -> vector<1x128xf32>
          %slice3A_293 = vector.extract_strided_slice %roll3A_292 {offsets = [0, 0], sizes = [1, 1], strides = [1, 1]} : vector<1x128xf32> to vector<1x1xf32>
          %mul3A_294 = vector.broadcast %slice3A_293 : vector<1x1xf32> to vector<1x128xf32>
          %mul3A_295 = arith.mulf %get3A_289, %mul3A_294 : vector<1x128xf32>
          %sub3A_296 = arith.constant 1.000000e+00 : f32
          %sub3A_297 = vector.broadcast %sub3A_296 : f32 to vector<1x128xf32>
          %sub3A_298 = arith.subf %sub3A_297, %mul3A_295 : vector<1x128xf32>
          %mul3A_299 = arith.mulf %mul3A_284, %sub3A_298 : vector<1x128xf32>
          %scan3A_300 = arith.constant 6 : i32
          %scan3A_301 = arith.addi %scan3A_212, %scan3A_300 : i32
          %get3A_302 = arith.index_cast %scan3A_301 : i32 to index
          %get3A_303 = arith.constant 0 : index
          %get3A_304 = vector.load %arg4[%get3A_302, %get3A_303] : memref<128x128xf32, #tpu.memory_space<vmem>>, vector<1x128xf32>
          %neg3A_305 = arith.constant 0 : i32
          %neg3A_306 = arith.subi %neg3A_305, %scan3A_301 : i32
          %roll3A_307 = tpu.dynamic_rotate %mul3A_299 by %neg3A_306 dim 1 : vector<1x128xf32>, i32 -> vector<1x128xf32>
          %slice3A_308 = vector.extract_strided_slice %roll3A_307 {offsets = [0, 0], sizes = [1, 1], strides = [1, 1]} : vector<1x128xf32> to vector<1x1xf32>
          %mul3A_309 = vector.broadcast %slice3A_308 : vector<1x1xf32> to vector<1x128xf32>
          %mul3A_310 = arith.mulf %get3A_304, %mul3A_309 : vector<1x128xf32>
          %sub3A_311 = arith.constant 1.000000e+00 : f32
          %sub3A_312 = vector.broadcast %sub3A_311 : f32 to vector<1x128xf32>
          %sub3A_313 = arith.subf %sub3A_312, %mul3A_310 : vector<1x128xf32>
          %mul3A_314 = arith.mulf %mul3A_299, %sub3A_313 : vector<1x128xf32>
          %scan3A_315 = arith.constant 7 : i32
          %scan3A_316 = arith.addi %scan3A_212, %scan3A_315 : i32
          %get3A_317 = arith.index_cast %scan3A_316 : i32 to index
          %get3A_318 = arith.constant 0 : index
          %get3A_319 = vector.load %arg4[%get3A_317, %get3A_318] : memref<128x128xf32, #tpu.memory_space<vmem>>, vector<1x128xf32>
          %neg3A_320 = arith.constant 0 : i32
          %neg3A_321 = arith.subi %neg3A_320, %scan3A_316 : i32
          %roll3A_322 = tpu.dynamic_rotate %mul3A_314 by %neg3A_321 dim 1 : vector<1x128xf32>, i32 -> vector<1x128xf32>
          %slice3A_323 = vector.extract_strided_slice %roll3A_322 {offsets = [0, 0], sizes = [1, 1], strides = [1, 1]} : vector<1x128xf32> to vector<1x1xf32>
          %mul3A_324 = vector.broadcast %slice3A_323 : vector<1x1xf32> to vector<1x128xf32>
          %mul3A_325 = arith.mulf %get3A_319, %mul3A_324 : vector<1x128xf32>
          %sub3A_326 = arith.constant 1.000000e+00 : f32
          %sub3A_327 = vector.broadcast %sub3A_326 : f32 to vector<1x128xf32>
          %sub3A_328 = arith.subf %sub3A_327, %mul3A_325 : vector<1x128xf32>
          %mul3A_329 = arith.mulf %mul3A_314, %sub3A_328 : vector<1x128xf32>
          scf.yield %mul3A_329 : vector<1x128xf32>
        }
        %scan3A_211 = arith.constant 32 : i32
        scf.yield %scan3A_210 : vector<1x128xf32>
      } else {
        scf.yield %cond3A_144 : vector<1x128xf32>
      }
      %slice3A_157 = vector.extract_strided_slice %select_n3A {offsets = [64, 0], sizes = [32, 128], strides = [1, 1]} : vector<128x128xf32> to vector<32x128xf32>
      %reduce_sum3A_158 = vector.shape_cast %slice3A_157 : vector<32x128xf32> to vector<1x32x128xf32>
      %reduce_sum3A_159 = arith.constant dense<0.000000e+00> : vector<1xf32>
      %reduce_sum3A_160 = vector.multi_reduction <add>, %reduce_sum3A_158, %reduce_sum3A_159 [1, 2] : vector<1x32x128xf32> to vector<1xf32>
      %reduce_sum3A_161 = vector.shape_cast %reduce_sum3A_160 : vector<1xf32> to vector<1x1x1xf32>
      %reduce_sum3A_162 = vector.extract %reduce_sum3A_161[0, 0, 0] : f32 from vector<1x1x1xf32>
      %gt3A_163 = arith.constant 0.000000e+00 : f32
      %gt3A_164 = arith.cmpf ogt, %reduce_sum3A_162, %gt3A_163 : f32
      %convert_element_type3A_165 = arith.extui %gt3A_164 : i1 to i32
      %cond3A_166 = arith.constant 0 : i32
      %cond3A_167 = arith.cmpi ne, %convert_element_type3A_165, %cond3A_166 : i32
      %cond3A_168 = scf.if %cond3A_167 -> (vector<1x128xf32>) {
        %scan3A_206 = arith.constant 64 : i32
        %scan3A_207 = arith.constant 32 : i32
        %scan3A_208 = arith.addi %scan3A_206, %scan3A_207 : i32
        %scan3A_209 = arith.constant 8 : i32
        %scan3A_210 = scf.for %scan3A_212 = %scan3A_206 to %scan3A_208 step %scan3A_209 iter_args(%scan3A_213 = %cond3A_156) -> (vector<1x128xf32>)  : i32 {
          %get3A_214 = arith.index_cast %scan3A_212 : i32 to index
          %get3A_215 = arith.constant 0 : index
          %get3A_216 = vector.load %arg4[%get3A_214, %get3A_215] : memref<128x128xf32, #tpu.memory_space<vmem>>, vector<1x128xf32>
          %neg3A = arith.constant 0 : i32
          %neg3A_217 = arith.subi %neg3A, %scan3A_212 : i32
          %roll3A = tpu.dynamic_rotate %scan3A_213 by %neg3A_217 dim 1 : vector<1x128xf32>, i32 -> vector<1x128xf32>
          %slice3A_218 = vector.extract_strided_slice %roll3A {offsets = [0, 0], sizes = [1, 1], strides = [1, 1]} : vector<1x128xf32> to vector<1x1xf32>
          %mul3A_219 = vector.broadcast %slice3A_218 : vector<1x1xf32> to vector<1x128xf32>
          %mul3A_220 = arith.mulf %get3A_216, %mul3A_219 : vector<1x128xf32>
          %sub3A_221 = arith.constant 1.000000e+00 : f32
          %sub3A_222 = vector.broadcast %sub3A_221 : f32 to vector<1x128xf32>
          %sub3A_223 = arith.subf %sub3A_222, %mul3A_220 : vector<1x128xf32>
          %mul3A_224 = arith.mulf %scan3A_213, %sub3A_223 : vector<1x128xf32>
          %scan3A_225 = arith.constant 1 : i32
          %scan3A_226 = arith.addi %scan3A_212, %scan3A_225 : i32
          %get3A_227 = arith.index_cast %scan3A_226 : i32 to index
          %get3A_228 = arith.constant 0 : index
          %get3A_229 = vector.load %arg4[%get3A_227, %get3A_228] : memref<128x128xf32, #tpu.memory_space<vmem>>, vector<1x128xf32>
          %neg3A_230 = arith.constant 0 : i32
          %neg3A_231 = arith.subi %neg3A_230, %scan3A_226 : i32
          %roll3A_232 = tpu.dynamic_rotate %mul3A_224 by %neg3A_231 dim 1 : vector<1x128xf32>, i32 -> vector<1x128xf32>
          %slice3A_233 = vector.extract_strided_slice %roll3A_232 {offsets = [0, 0], sizes = [1, 1], strides = [1, 1]} : vector<1x128xf32> to vector<1x1xf32>
          %mul3A_234 = vector.broadcast %slice3A_233 : vector<1x1xf32> to vector<1x128xf32>
          %mul3A_235 = arith.mulf %get3A_229, %mul3A_234 : vector<1x128xf32>
          %sub3A_236 = arith.constant 1.000000e+00 : f32
          %sub3A_237 = vector.broadcast %sub3A_236 : f32 to vector<1x128xf32>
          %sub3A_238 = arith.subf %sub3A_237, %mul3A_235 : vector<1x128xf32>
          %mul3A_239 = arith.mulf %mul3A_224, %sub3A_238 : vector<1x128xf32>
          %scan3A_240 = arith.constant 2 : i32
          %scan3A_241 = arith.addi %scan3A_212, %scan3A_240 : i32
          %get3A_242 = arith.index_cast %scan3A_241 : i32 to index
          %get3A_243 = arith.constant 0 : index
          %get3A_244 = vector.load %arg4[%get3A_242, %get3A_243] : memref<128x128xf32, #tpu.memory_space<vmem>>, vector<1x128xf32>
          %neg3A_245 = arith.constant 0 : i32
          %neg3A_246 = arith.subi %neg3A_245, %scan3A_241 : i32
          %roll3A_247 = tpu.dynamic_rotate %mul3A_239 by %neg3A_246 dim 1 : vector<1x128xf32>, i32 -> vector<1x128xf32>
          %slice3A_248 = vector.extract_strided_slice %roll3A_247 {offsets = [0, 0], sizes = [1, 1], strides = [1, 1]} : vector<1x128xf32> to vector<1x1xf32>
          %mul3A_249 = vector.broadcast %slice3A_248 : vector<1x1xf32> to vector<1x128xf32>
          %mul3A_250 = arith.mulf %get3A_244, %mul3A_249 : vector<1x128xf32>
          %sub3A_251 = arith.constant 1.000000e+00 : f32
          %sub3A_252 = vector.broadcast %sub3A_251 : f32 to vector<1x128xf32>
          %sub3A_253 = arith.subf %sub3A_252, %mul3A_250 : vector<1x128xf32>
          %mul3A_254 = arith.mulf %mul3A_239, %sub3A_253 : vector<1x128xf32>
          %scan3A_255 = arith.constant 3 : i32
          %scan3A_256 = arith.addi %scan3A_212, %scan3A_255 : i32
          %get3A_257 = arith.index_cast %scan3A_256 : i32 to index
          %get3A_258 = arith.constant 0 : index
          %get3A_259 = vector.load %arg4[%get3A_257, %get3A_258] : memref<128x128xf32, #tpu.memory_space<vmem>>, vector<1x128xf32>
          %neg3A_260 = arith.constant 0 : i32
          %neg3A_261 = arith.subi %neg3A_260, %scan3A_256 : i32
          %roll3A_262 = tpu.dynamic_rotate %mul3A_254 by %neg3A_261 dim 1 : vector<1x128xf32>, i32 -> vector<1x128xf32>
          %slice3A_263 = vector.extract_strided_slice %roll3A_262 {offsets = [0, 0], sizes = [1, 1], strides = [1, 1]} : vector<1x128xf32> to vector<1x1xf32>
          %mul3A_264 = vector.broadcast %slice3A_263 : vector<1x1xf32> to vector<1x128xf32>
          %mul3A_265 = arith.mulf %get3A_259, %mul3A_264 : vector<1x128xf32>
          %sub3A_266 = arith.constant 1.000000e+00 : f32
          %sub3A_267 = vector.broadcast %sub3A_266 : f32 to vector<1x128xf32>
          %sub3A_268 = arith.subf %sub3A_267, %mul3A_265 : vector<1x128xf32>
          %mul3A_269 = arith.mulf %mul3A_254, %sub3A_268 : vector<1x128xf32>
          %scan3A_270 = arith.constant 4 : i32
          %scan3A_271 = arith.addi %scan3A_212, %scan3A_270 : i32
          %get3A_272 = arith.index_cast %scan3A_271 : i32 to index
          %get3A_273 = arith.constant 0 : index
          %get3A_274 = vector.load %arg4[%get3A_272, %get3A_273] : memref<128x128xf32, #tpu.memory_space<vmem>>, vector<1x128xf32>
          %neg3A_275 = arith.constant 0 : i32
          %neg3A_276 = arith.subi %neg3A_275, %scan3A_271 : i32
          %roll3A_277 = tpu.dynamic_rotate %mul3A_269 by %neg3A_276 dim 1 : vector<1x128xf32>, i32 -> vector<1x128xf32>
          %slice3A_278 = vector.extract_strided_slice %roll3A_277 {offsets = [0, 0], sizes = [1, 1], strides = [1, 1]} : vector<1x128xf32> to vector<1x1xf32>
          %mul3A_279 = vector.broadcast %slice3A_278 : vector<1x1xf32> to vector<1x128xf32>
          %mul3A_280 = arith.mulf %get3A_274, %mul3A_279 : vector<1x128xf32>
          %sub3A_281 = arith.constant 1.000000e+00 : f32
          %sub3A_282 = vector.broadcast %sub3A_281 : f32 to vector<1x128xf32>
          %sub3A_283 = arith.subf %sub3A_282, %mul3A_280 : vector<1x128xf32>
          %mul3A_284 = arith.mulf %mul3A_269, %sub3A_283 : vector<1x128xf32>
          %scan3A_285 = arith.constant 5 : i32
          %scan3A_286 = arith.addi %scan3A_212, %scan3A_285 : i32
          %get3A_287 = arith.index_cast %scan3A_286 : i32 to index
          %get3A_288 = arith.constant 0 : index
          %get3A_289 = vector.load %arg4[%get3A_287, %get3A_288] : memref<128x128xf32, #tpu.memory_space<vmem>>, vector<1x128xf32>
          %neg3A_290 = arith.constant 0 : i32
          %neg3A_291 = arith.subi %neg3A_290, %scan3A_286 : i32
          %roll3A_292 = tpu.dynamic_rotate %mul3A_284 by %neg3A_291 dim 1 : vector<1x128xf32>, i32 -> vector<1x128xf32>
          %slice3A_293 = vector.extract_strided_slice %roll3A_292 {offsets = [0, 0], sizes = [1, 1], strides = [1, 1]} : vector<1x128xf32> to vector<1x1xf32>
          %mul3A_294 = vector.broadcast %slice3A_293 : vector<1x1xf32> to vector<1x128xf32>
          %mul3A_295 = arith.mulf %get3A_289, %mul3A_294 : vector<1x128xf32>
          %sub3A_296 = arith.constant 1.000000e+00 : f32
          %sub3A_297 = vector.broadcast %sub3A_296 : f32 to vector<1x128xf32>
          %sub3A_298 = arith.subf %sub3A_297, %mul3A_295 : vector<1x128xf32>
          %mul3A_299 = arith.mulf %mul3A_284, %sub3A_298 : vector<1x128xf32>
          %scan3A_300 = arith.constant 6 : i32
          %scan3A_301 = arith.addi %scan3A_212, %scan3A_300 : i32
          %get3A_302 = arith.index_cast %scan3A_301 : i32 to index
          %get3A_303 = arith.constant 0 : index
          %get3A_304 = vector.load %arg4[%get3A_302, %get3A_303] : memref<128x128xf32, #tpu.memory_space<vmem>>, vector<1x128xf32>
          %neg3A_305 = arith.constant 0 : i32
          %neg3A_306 = arith.subi %neg3A_305, %scan3A_301 : i32
          %roll3A_307 = tpu.dynamic_rotate %mul3A_299 by %neg3A_306 dim 1 : vector<1x128xf32>, i32 -> vector<1x128xf32>
          %slice3A_308 = vector.extract_strided_slice %roll3A_307 {offsets = [0, 0], sizes = [1, 1], strides = [1, 1]} : vector<1x128xf32> to vector<1x1xf32>
          %mul3A_309 = vector.broadcast %slice3A_308 : vector<1x1xf32> to vector<1x128xf32>
          %mul3A_310 = arith.mulf %get3A_304, %mul3A_309 : vector<1x128xf32>
          %sub3A_311 = arith.constant 1.000000e+00 : f32
          %sub3A_312 = vector.broadcast %sub3A_311 : f32 to vector<1x128xf32>
          %sub3A_313 = arith.subf %sub3A_312, %mul3A_310 : vector<1x128xf32>
          %mul3A_314 = arith.mulf %mul3A_299, %sub3A_313 : vector<1x128xf32>
          %scan3A_315 = arith.constant 7 : i32
          %scan3A_316 = arith.addi %scan3A_212, %scan3A_315 : i32
          %get3A_317 = arith.index_cast %scan3A_316 : i32 to index
          %get3A_318 = arith.constant 0 : index
          %get3A_319 = vector.load %arg4[%get3A_317, %get3A_318] : memref<128x128xf32, #tpu.memory_space<vmem>>, vector<1x128xf32>
          %neg3A_320 = arith.constant 0 : i32
          %neg3A_321 = arith.subi %neg3A_320, %scan3A_316 : i32
          %roll3A_322 = tpu.dynamic_rotate %mul3A_314 by %neg3A_321 dim 1 : vector<1x128xf32>, i32 -> vector<1x128xf32>
          %slice3A_323 = vector.extract_strided_slice %roll3A_322 {offsets = [0, 0], sizes = [1, 1], strides = [1, 1]} : vector<1x128xf32> to vector<1x1xf32>
          %mul3A_324 = vector.broadcast %slice3A_323 : vector<1x1xf32> to vector<1x128xf32>
          %mul3A_325 = arith.mulf %get3A_319, %mul3A_324 : vector<1x128xf32>
          %sub3A_326 = arith.constant 1.000000e+00 : f32
          %sub3A_327 = vector.broadcast %sub3A_326 : f32 to vector<1x128xf32>
          %sub3A_328 = arith.subf %sub3A_327, %mul3A_325 : vector<1x128xf32>
          %mul3A_329 = arith.mulf %mul3A_314, %sub3A_328 : vector<1x128xf32>
          scf.yield %mul3A_329 : vector<1x128xf32>
        }
        %scan3A_211 = arith.constant 32 : i32
        scf.yield %scan3A_210 : vector<1x128xf32>
      } else {
        scf.yield %cond3A_156 : vector<1x128xf32>
      }
      %slice3A_169 = vector.extract_strided_slice %select_n3A {offsets = [96, 0], sizes = [32, 128], strides = [1, 1]} : vector<128x128xf32> to vector<32x128xf32>
      %reduce_sum3A_170 = vector.shape_cast %slice3A_169 : vector<32x128xf32> to vector<1x32x128xf32>
      %reduce_sum3A_171 = arith.constant dense<0.000000e+00> : vector<1xf32>
      %reduce_sum3A_172 = vector.multi_reduction <add>, %reduce_sum3A_170, %reduce_sum3A_171 [1, 2] : vector<1x32x128xf32> to vector<1xf32>
      %reduce_sum3A_173 = vector.shape_cast %reduce_sum3A_172 : vector<1xf32> to vector<1x1x1xf32>
      %reduce_sum3A_174 = vector.extract %reduce_sum3A_173[0, 0, 0] : f32 from vector<1x1x1xf32>
      %gt3A_175 = arith.constant 0.000000e+00 : f32
      %gt3A_176 = arith.cmpf ogt, %reduce_sum3A_174, %gt3A_175 : f32
      %convert_element_type3A_177 = arith.extui %gt3A_176 : i1 to i32
      %cond3A_178 = arith.constant 0 : i32
      %cond3A_179 = arith.cmpi ne, %convert_element_type3A_177, %cond3A_178 : i32
      %cond3A_180 = scf.if %cond3A_179 -> (vector<1x128xf32>) {
        %scan3A_206 = arith.constant 96 : i32
        %scan3A_207 = arith.constant 32 : i32
        %scan3A_208 = arith.addi %scan3A_206, %scan3A_207 : i32
        %scan3A_209 = arith.constant 8 : i32
        %scan3A_210 = scf.for %scan3A_212 = %scan3A_206 to %scan3A_208 step %scan3A_209 iter_args(%scan3A_213 = %cond3A_168) -> (vector<1x128xf32>)  : i32 {
          %get3A_214 = arith.index_cast %scan3A_212 : i32 to index
          %get3A_215 = arith.constant 0 : index
          %get3A_216 = vector.load %arg4[%get3A_214, %get3A_215] : memref<128x128xf32, #tpu.memory_space<vmem>>, vector<1x128xf32>
          %neg3A = arith.constant 0 : i32
          %neg3A_217 = arith.subi %neg3A, %scan3A_212 : i32
          %roll3A = tpu.dynamic_rotate %scan3A_213 by %neg3A_217 dim 1 : vector<1x128xf32>, i32 -> vector<1x128xf32>
          %slice3A_218 = vector.extract_strided_slice %roll3A {offsets = [0, 0], sizes = [1, 1], strides = [1, 1]} : vector<1x128xf32> to vector<1x1xf32>
          %mul3A_219 = vector.broadcast %slice3A_218 : vector<1x1xf32> to vector<1x128xf32>
          %mul3A_220 = arith.mulf %get3A_216, %mul3A_219 : vector<1x128xf32>
          %sub3A_221 = arith.constant 1.000000e+00 : f32
          %sub3A_222 = vector.broadcast %sub3A_221 : f32 to vector<1x128xf32>
          %sub3A_223 = arith.subf %sub3A_222, %mul3A_220 : vector<1x128xf32>
          %mul3A_224 = arith.mulf %scan3A_213, %sub3A_223 : vector<1x128xf32>
          %scan3A_225 = arith.constant 1 : i32
          %scan3A_226 = arith.addi %scan3A_212, %scan3A_225 : i32
          %get3A_227 = arith.index_cast %scan3A_226 : i32 to index
          %get3A_228 = arith.constant 0 : index
          %get3A_229 = vector.load %arg4[%get3A_227, %get3A_228] : memref<128x128xf32, #tpu.memory_space<vmem>>, vector<1x128xf32>
          %neg3A_230 = arith.constant 0 : i32
          %neg3A_231 = arith.subi %neg3A_230, %scan3A_226 : i32
          %roll3A_232 = tpu.dynamic_rotate %mul3A_224 by %neg3A_231 dim 1 : vector<1x128xf32>, i32 -> vector<1x128xf32>
          %slice3A_233 = vector.extract_strided_slice %roll3A_232 {offsets = [0, 0], sizes = [1, 1], strides = [1, 1]} : vector<1x128xf32> to vector<1x1xf32>
          %mul3A_234 = vector.broadcast %slice3A_233 : vector<1x1xf32> to vector<1x128xf32>
          %mul3A_235 = arith.mulf %get3A_229, %mul3A_234 : vector<1x128xf32>
          %sub3A_236 = arith.constant 1.000000e+00 : f32
          %sub3A_237 = vector.broadcast %sub3A_236 : f32 to vector<1x128xf32>
          %sub3A_238 = arith.subf %sub3A_237, %mul3A_235 : vector<1x128xf32>
          %mul3A_239 = arith.mulf %mul3A_224, %sub3A_238 : vector<1x128xf32>
          %scan3A_240 = arith.constant 2 : i32
          %scan3A_241 = arith.addi %scan3A_212, %scan3A_240 : i32
          %get3A_242 = arith.index_cast %scan3A_241 : i32 to index
          %get3A_243 = arith.constant 0 : index
          %get3A_244 = vector.load %arg4[%get3A_242, %get3A_243] : memref<128x128xf32, #tpu.memory_space<vmem>>, vector<1x128xf32>
          %neg3A_245 = arith.constant 0 : i32
          %neg3A_246 = arith.subi %neg3A_245, %scan3A_241 : i32
          %roll3A_247 = tpu.dynamic_rotate %mul3A_239 by %neg3A_246 dim 1 : vector<1x128xf32>, i32 -> vector<1x128xf32>
          %slice3A_248 = vector.extract_strided_slice %roll3A_247 {offsets = [0, 0], sizes = [1, 1], strides = [1, 1]} : vector<1x128xf32> to vector<1x1xf32>
          %mul3A_249 = vector.broadcast %slice3A_248 : vector<1x1xf32> to vector<1x128xf32>
          %mul3A_250 = arith.mulf %get3A_244, %mul3A_249 : vector<1x128xf32>
          %sub3A_251 = arith.constant 1.000000e+00 : f32
          %sub3A_252 = vector.broadcast %sub3A_251 : f32 to vector<1x128xf32>
          %sub3A_253 = arith.subf %sub3A_252, %mul3A_250 : vector<1x128xf32>
          %mul3A_254 = arith.mulf %mul3A_239, %sub3A_253 : vector<1x128xf32>
          %scan3A_255 = arith.constant 3 : i32
          %scan3A_256 = arith.addi %scan3A_212, %scan3A_255 : i32
          %get3A_257 = arith.index_cast %scan3A_256 : i32 to index
          %get3A_258 = arith.constant 0 : index
          %get3A_259 = vector.load %arg4[%get3A_257, %get3A_258] : memref<128x128xf32, #tpu.memory_space<vmem>>, vector<1x128xf32>
          %neg3A_260 = arith.constant 0 : i32
          %neg3A_261 = arith.subi %neg3A_260, %scan3A_256 : i32
          %roll3A_262 = tpu.dynamic_rotate %mul3A_254 by %neg3A_261 dim 1 : vector<1x128xf32>, i32 -> vector<1x128xf32>
          %slice3A_263 = vector.extract_strided_slice %roll3A_262 {offsets = [0, 0], sizes = [1, 1], strides = [1, 1]} : vector<1x128xf32> to vector<1x1xf32>
          %mul3A_264 = vector.broadcast %slice3A_263 : vector<1x1xf32> to vector<1x128xf32>
          %mul3A_265 = arith.mulf %get3A_259, %mul3A_264 : vector<1x128xf32>
          %sub3A_266 = arith.constant 1.000000e+00 : f32
          %sub3A_267 = vector.broadcast %sub3A_266 : f32 to vector<1x128xf32>
          %sub3A_268 = arith.subf %sub3A_267, %mul3A_265 : vector<1x128xf32>
          %mul3A_269 = arith.mulf %mul3A_254, %sub3A_268 : vector<1x128xf32>
          %scan3A_270 = arith.constant 4 : i32
          %scan3A_271 = arith.addi %scan3A_212, %scan3A_270 : i32
          %get3A_272 = arith.index_cast %scan3A_271 : i32 to index
          %get3A_273 = arith.constant 0 : index
          %get3A_274 = vector.load %arg4[%get3A_272, %get3A_273] : memref<128x128xf32, #tpu.memory_space<vmem>>, vector<1x128xf32>
          %neg3A_275 = arith.constant 0 : i32
          %neg3A_276 = arith.subi %neg3A_275, %scan3A_271 : i32
          %roll3A_277 = tpu.dynamic_rotate %mul3A_269 by %neg3A_276 dim 1 : vector<1x128xf32>, i32 -> vector<1x128xf32>
          %slice3A_278 = vector.extract_strided_slice %roll3A_277 {offsets = [0, 0], sizes = [1, 1], strides = [1, 1]} : vector<1x128xf32> to vector<1x1xf32>
          %mul3A_279 = vector.broadcast %slice3A_278 : vector<1x1xf32> to vector<1x128xf32>
          %mul3A_280 = arith.mulf %get3A_274, %mul3A_279 : vector<1x128xf32>
          %sub3A_281 = arith.constant 1.000000e+00 : f32
          %sub3A_282 = vector.broadcast %sub3A_281 : f32 to vector<1x128xf32>
          %sub3A_283 = arith.subf %sub3A_282, %mul3A_280 : vector<1x128xf32>
          %mul3A_284 = arith.mulf %mul3A_269, %sub3A_283 : vector<1x128xf32>
          %scan3A_285 = arith.constant 5 : i32
          %scan3A_286 = arith.addi %scan3A_212, %scan3A_285 : i32
          %get3A_287 = arith.index_cast %scan3A_286 : i32 to index
          %get3A_288 = arith.constant 0 : index
          %get3A_289 = vector.load %arg4[%get3A_287, %get3A_288] : memref<128x128xf32, #tpu.memory_space<vmem>>, vector<1x128xf32>
          %neg3A_290 = arith.constant 0 : i32
          %neg3A_291 = arith.subi %neg3A_290, %scan3A_286 : i32
          %roll3A_292 = tpu.dynamic_rotate %mul3A_284 by %neg3A_291 dim 1 : vector<1x128xf32>, i32 -> vector<1x128xf32>
          %slice3A_293 = vector.extract_strided_slice %roll3A_292 {offsets = [0, 0], sizes = [1, 1], strides = [1, 1]} : vector<1x128xf32> to vector<1x1xf32>
          %mul3A_294 = vector.broadcast %slice3A_293 : vector<1x1xf32> to vector<1x128xf32>
          %mul3A_295 = arith.mulf %get3A_289, %mul3A_294 : vector<1x128xf32>
          %sub3A_296 = arith.constant 1.000000e+00 : f32
          %sub3A_297 = vector.broadcast %sub3A_296 : f32 to vector<1x128xf32>
          %sub3A_298 = arith.subf %sub3A_297, %mul3A_295 : vector<1x128xf32>
          %mul3A_299 = arith.mulf %mul3A_284, %sub3A_298 : vector<1x128xf32>
          %scan3A_300 = arith.constant 6 : i32
          %scan3A_301 = arith.addi %scan3A_212, %scan3A_300 : i32
          %get3A_302 = arith.index_cast %scan3A_301 : i32 to index
          %get3A_303 = arith.constant 0 : index
          %get3A_304 = vector.load %arg4[%get3A_302, %get3A_303] : memref<128x128xf32, #tpu.memory_space<vmem>>, vector<1x128xf32>
          %neg3A_305 = arith.constant 0 : i32
          %neg3A_306 = arith.subi %neg3A_305, %scan3A_301 : i32
          %roll3A_307 = tpu.dynamic_rotate %mul3A_299 by %neg3A_306 dim 1 : vector<1x128xf32>, i32 -> vector<1x128xf32>
          %slice3A_308 = vector.extract_strided_slice %roll3A_307 {offsets = [0, 0], sizes = [1, 1], strides = [1, 1]} : vector<1x128xf32> to vector<1x1xf32>
          %mul3A_309 = vector.broadcast %slice3A_308 : vector<1x1xf32> to vector<1x128xf32>
          %mul3A_310 = arith.mulf %get3A_304, %mul3A_309 : vector<1x128xf32>
          %sub3A_311 = arith.constant 1.000000e+00 : f32
          %sub3A_312 = vector.broadcast %sub3A_311 : f32 to vector<1x128xf32>
          %sub3A_313 = arith.subf %sub3A_312, %mul3A_310 : vector<1x128xf32>
          %mul3A_314 = arith.mulf %mul3A_299, %sub3A_313 : vector<1x128xf32>
          %scan3A_315 = arith.constant 7 : i32
          %scan3A_316 = arith.addi %scan3A_212, %scan3A_315 : i32
          %get3A_317 = arith.index_cast %scan3A_316 : i32 to index
          %get3A_318 = arith.constant 0 : index
          %get3A_319 = vector.load %arg4[%get3A_317, %get3A_318] : memref<128x128xf32, #tpu.memory_space<vmem>>, vector<1x128xf32>
          %neg3A_320 = arith.constant 0 : i32
          %neg3A_321 = arith.subi %neg3A_320, %scan3A_316 : i32
          %roll3A_322 = tpu.dynamic_rotate %mul3A_314 by %neg3A_321 dim 1 : vector<1x128xf32>, i32 -> vector<1x128xf32>
          %slice3A_323 = vector.extract_strided_slice %roll3A_322 {offsets = [0, 0], sizes = [1, 1], strides = [1, 1]} : vector<1x128xf32> to vector<1x1xf32>
          %mul3A_324 = vector.broadcast %slice3A_323 : vector<1x1xf32> to vector<1x128xf32>
          %mul3A_325 = arith.mulf %get3A_319, %mul3A_324 : vector<1x128xf32>
          %sub3A_326 = arith.constant 1.000000e+00 : f32
          %sub3A_327 = vector.broadcast %sub3A_326 : f32 to vector<1x128xf32>
          %sub3A_328 = arith.subf %sub3A_327, %mul3A_325 : vector<1x128xf32>
          %mul3A_329 = arith.mulf %mul3A_314, %sub3A_328 : vector<1x128xf32>
          scf.yield %mul3A_329 : vector<1x128xf32>
        }
        %scan3A_211 = arith.constant 32 : i32
        scf.yield %scan3A_210 : vector<1x128xf32>
      } else {
        scf.yield %cond3A_168 : vector<1x128xf32>
      }
      %convert_element_type3A_181 = arith.truncf %cond3A_180 : vector<1x128xf32> to vector<1x128xbf16>
      %dot_general3A = arith.constant dense<0.000000e+00> : vector<1x4096xf32>
      %dot_general3A_182 = tpu.matmul %convert_element_type3A_181, %convert_element_type3A_65, %dot_general3A {dimension_numbers = #tpu.dot_dimension_numbers<[1], [0], [0], [1], [0, 0, 1, 1], [], []>, transpose_lhs_hint = false} : vector<1x128xbf16>, vector<128x4096xbf16>, vector<1x4096xf32> -> vector<1x4096xf32>
      %gt3A_183 = arith.constant 0.000000e+00 : f32
      %gt3A_184 = vector.broadcast %gt3A_183 : f32 to vector<1x4096xf32>
      %gt3A_185 = arith.cmpf ogt, %dot_general3A_182, %gt3A_184 : vector<1x4096xf32>
      %add3A_186 = arith.constant 1 : i32
      %add3A_187 = arith.addi %scan3A_25, %add3A_186 : i32
      %mul3A_188 = arith.constant 128 : i32
      %mul3A_189 = arith.muli %add3A_187, %mul3A_188 : i32
      %ge3A = vector.broadcast %mul3A_189 : i32 to vector<1x4096xi32>
      %ge3A_190 = arith.cmpi sge, %iota3A, %ge3A : vector<1x4096xi32>
      %and3A_191 = arith.andi %gt3A_185, %ge3A_190 : vector<1x4096xi1>
      %get3A_192 = arith.constant 0 : index
      %get3A_193 = arith.constant 0 : index
      %get3A_194 = vector.load %arg3[%get3A_192, %get3A_193] : memref<1x4096xf32, #tpu.memory_space<vmem>>, vector<1x4096xf32>
      %jit3A_195 = arith.constant 0.000000e+00 : f32
      %broadcast_in_dim3A_196 = vector.broadcast %jit3A_195 : f32 to vector<1x4096xf32>
      %select_n3A_197 = arith.select %and3A_191, %broadcast_in_dim3A_196, %get3A_194 : vector<1x4096xi1>, vector<1x4096xf32>
      %swap3A_198 = arith.constant 0 : index
      %swap3A_199 = arith.constant 0 : index
      %swap3A_200 = vector.load %arg3[%swap3A_198, %swap3A_199] : memref<1x4096xf32, #tpu.memory_space<vmem>>, vector<1x4096xf32>
      tpu.vector_store %arg3[%swap3A_198, %swap3A_199], %select_n3A_197 {strides = array<i32>} : memref<1x4096xf32, #tpu.memory_space<vmem>>, vector<1x4096xf32>,
      %mul3A_201 = arith.constant 128 : i32
      %mul3A_202 = arith.muli %scan3A_25, %mul3A_201 : i32
      %swap3A_203 = arith.constant 0 : index
      %swap3A_204 = arith.index_cast %mul3A_202 : i32 to index
      %swap3A_205 = vector.load %arg3[%swap3A_203, %swap3A_204] : memref<1x4096xf32, #tpu.memory_space<vmem>>, vector<1x128xf32>
      tpu.vector_store %arg3[%swap3A_203, %swap3A_204], %cond3A_180 {strides = array<i32>} : memref<1x4096xf32, #tpu.memory_space<vmem>>, vector<1x128xf32>,
    }
    %scan3A_18 = arith.constant 32 : i32
    %get3A_19 = arith.constant 0 : index
    %get3A_20 = arith.constant 0 : index
    %get3A_21 = vector.load %arg3[%get3A_19, %get3A_20] : memref<1x4096xf32, #tpu.memory_space<vmem>>, vector<1x4096xf32>
    %swap3A_22 = arith.constant 0 : index
    %swap3A_23 = arith.constant 0 : index
    %swap3A_24 = vector.load %arg2[%swap3A_22, %swap3A_23] : memref<1x4096xf32, #tpu.memory_space<vmem>>, vector<1x4096xf32>
    tpu.vector_store %arg2[%swap3A_22, %swap3A_23], %get3A_21 {strides = array<i32>} : memref<1x4096xf32, #tpu.memory_space<vmem>>, vector<1x4096xf32>,
    return
  }
}

</mosaic_0001>

<sc_bundles>
// kernel: gather_offload_async_start.1
scs
__scs_entry_jumppad:
0x0: {  	(pc) =	sbr.rel $0x88, $3  }
0x1: {  	(tag) =	ssettag $0x0;
	lr =	simm.s32 $0x1  }
0x2: {  	[smem:$0x3F9E] =	sst lr;
	_ =	strace $0xD0000000  }
0x3: {  	_ = 	snop  }
0x4: {  	_ = 	snop  }
0x5: {  	_ = 	snop  }
0x6: {  	_ = 	snop  }
0x7: {  	_ = 	snop  }
__scs_overlays_trampoline_lowered:
0x8: {  	[smem:$0x3FAD] =	sst s0  }
0x9: {  	[smem:$0x3FAE] =	sst s1  }
0xa: {  	[smem:$0x3FAF] =	sst s2  }
0xb: {  	[smem:$0x3FB0] =	sst s3  }
0xc: {  	[smem:$0x3FB1] =	sst s4  }
0xd: {  	[smem:$0x3FB2] =	sst s5  }
0xe: {  	[smem:$0x3FB3] =	sst s6  }
0xf: {  	[smem:$0x3FB4] =	sst s7  }
0x10: {  	[smem:$0x3FB5] =	sst s8  }
0x11: {  	[smem:$0x3FB6] =	sst s9;
	s0 =	simm.s32 @!p0 $0x0  }
0x12: {  	s1 =	sld [smem:$0x3F9C];
	s0 =	simm.s32 @p0 $0x1  }
0x13: {  	[smem:$0x3FB7] =	sst s0;
	s0 =	simm.s32 @!p1 $0x0  }
0x14: {  	s2 =	sld [smem:$0x3F9B];
	s0 =	simm.s32 @p1 $0x1  }
0x15: {  	[smem:$0x3FB8] =	sst s0;
	s0 =	simm.s32 @!p2 $0x0  }
0x16: {  	s3 =	sld [smem:$0x3FDB];
	s0 =	simm.s32 @p2 $0x1  }
0x17: {  	s4 =	simm.s32 $0x1BF5;
	[smem:$0x3FBA] =	sst s0  }
0x18: {  	s0 =	sld [smem:$0x3F9D];
	_ =	swait.ge [sflag:s4], $0x0  }
0x19: {  	s7 =	sld [smem:$0x3F9E]  }
0x1a: {  	s8 =	sadd.s32 $0xFFFFE003, lr  }
0x1b: {  	s9 =	sadd.s32 $0xFFFFFEF7, lr;
	s5 =	simm.s32 $0xFFFFFFFF;
	p2 =	slt.u32 s8, $0xFFFFF086  }
0x1c: {  	p1 =	slt.u32 s9, $0xF7A;
	s5 =	simm.s32 @!p2 $0x0  }
0x1d: {  	s5 =	simm.s32 @p1 $0x1;
	p0 =	seq.s32 s7, s2  }
0x1e: {  	s7 =	smul.u32 @!p0 $0xF7A, s2;
	p2 =	seq.s32 @!p0 s5, $0x0  }
0x1f: {  	s9 =	smul.u32 $0xF7A, s1;
	s8 =	simm.s32 @!p0 $0x1BF5;
	p2 =	por !p2, p0  }
0x20: {  	[sflag:s8] =	ssyncset.s32 @!p0 $0xFFFFF086;
	s6 =	sadd.s32 @!p0 s3, s7;
	s7 =	simm.s32 @!p0 $0x108  }
0x21: {  	s3 =	sadd.s32 s3, s9;
	s6 =	sadd.s32 @!p0 $0x88, s6;
	s7 =	simm.s32 @p2 $0x1082  }
0x22: {  	[simem:s7], [sflag:s8] =	dma.local @!p0 [hbm:s6], $0xF7A  }
0x23: {  	s9 =	sor.u32 $0xD0000000, s2;
	s6 =	simm.s32 $0x108;
	_ =	swait.ge @!p0 [sflag:s8], $0x0  }
0x24: {  	s3 =	sadd.s32 $0x88, s3;
	s6 =	simm.s32 @!p1 $0x1082;
	[sflag:s4] =	ssyncset.s32 $0xFFFFF086  }
0x25: {  	[simem:s6], [sflag:s4] =	dma.local [hbm:s3], $0xF7A  }
0x26: {  	[smem:$0x3F9E] =	sst s1;
	(tag) =	ssettag s2;
	_ =	strace s9  }
0x27: {  	s1 =	sld [smem:$0x3FAE]  }
0x28: {  	s2 =	sld [smem:$0x3FAF]  }
0x29: {  	s4 =	sld [smem:$0x3FB1]  }
0x2a: {  	p0 =	seq.s32 s5, $0x0;
	s5 =	sld [smem:$0x3FB2]  }
0x2b: {  	s6 =	sld [smem:$0x3FB3]  }
0x2c: {  	s7 =	sld [smem:$0x3FB4]  }
0x2d: {  	s3 =	simm.s32 $0x108;
	s8 =	sld [smem:$0x3FB5]  }
0x2e: {  	s3 =	simm.s32 @!p0 $0x1082;
	s9 =	sld [smem:$0x3FB6]  }
0x2f: {  	lr =	sadd.s32 s0, s3;
	s0 =	sld [smem:$0x3FAD]  }
0x30: {  	s3 =	sld [smem:$0x3FB0]  }
0x31: {  	[smem:$0x3FB9] =	sst s10  }
0x32: {  	s10 =	sld [smem:$0x3FB7];
	_ =	sdelay $0x3  }
0x33: {  	p0 =	seq.s32 s10, $0x1;
	s10 =	sld [smem:$0x3FB9];
	_ =	sdelay $0x3  }
0x34: {  	[smem:$0x3FB9] =	sst s10  }
0x35: {  	s10 =	sld [smem:$0x3FB8];
	_ =	sdelay $0x3  }
0x36: {  	p1 =	seq.s32 s10, $0x1;
	s10 =	sld [smem:$0x3FB9];
	_ =	sdelay $0x3  }
0x37: {  	[smem:$0x3FB9] =	sst s10  }
0x38: {  	s10 =	sld [smem:$0x3FBA]  }
0x39: {  	_ = 	snop;
	(pc) =	sbr.ind lr, $3  }
0x3a: {  	_ = 	snop  }
0x3b: {  	_ = 	snop  }
0x3c: {  	p2 =	seq.s32 s10, $0x1;
	s10 =	sld [smem:$0x3FB9]  }
0x3d: {  	_ =	shalt  }
0x3e: {  	_ =	shalt  }
0x3f: {  	_ =	shalt  }
0x40: {  	_ =	shalt  }
0x41: {  	_ =	shalt  }
0x42: {  	_ =	shalt  }
0x43: {  	_ =	shalt  }
0x44: {  	_ =	shalt  }
0x45: {  	_ =	shalt  }
0x46: {  	_ =	shalt  }
0x47: {  	_ =	shalt  }
0x48: {  	_ =	shalt  }
0x49: {  	_ =	shalt  }
0x4a: {  	_ =	shalt  }
0x4b: {  	_ =	shalt  }
0x4c: {  	_ =	shalt  }
0x4d: {  	_ =	shalt  }
0x4e: {  	_ =	shalt  }
0x4f: {  	_ =	shalt  }
0x50: {  	_ =	shalt  }
0x51: {  	_ =	shalt  }
0x52: {  	_ =	shalt  }
0x53: {  	_ =	shalt  }
0x54: {  	_ =	shalt  }
0x55: {  	_ =	shalt  }
0x56: {  	_ =	shalt  }
0x57: {  	_ =	shalt  }
0x58: {  	_ =	shalt  }
0x59: {  	_ =	shalt  }
0x5a: {  	_ =	shalt  }
0x5b: {  	_ =	shalt  }
0x5c: {  	_ =	shalt  }
0x5d: {  	_ =	shalt  }
0x5e: {  	_ =	shalt  }
0x5f: {  	_ =	shalt  }
0x60: {  	_ =	shalt  }
0x61: {  	_ =	shalt  }
0x62: {  	_ =	shalt  }
0x63: {  	_ =	shalt  }
0x64: {  	_ =	shalt  }
0x65: {  	_ =	shalt  }
0x66: {  	_ =	shalt  }
0x67: {  	_ =	shalt  }
0x68: {  	_ =	shalt  }
0x69: {  	_ =	shalt  }
0x6a: {  	_ =	shalt  }
0x6b: {  	_ =	shalt  }
0x6c: {  	_ =	shalt  }
0x6d: {  	_ =	shalt  }
0x6e: {  	_ =	shalt  }
0x6f: {  	_ =	shalt  }
0x70: {  	_ =	shalt  }
0x71: {  	_ =	shalt  }
0x72: {  	_ =	shalt  }
0x73: {  	_ =	shalt  }
0x74: {  	_ =	shalt  }
0x75: {  	_ =	shalt  }
0x76: {  	_ =	shalt  }
0x77: {  	_ =	shalt  }
0x78: {  	_ =	shalt  }
0x79: {  	_ =	shalt  }
0x7a: {  	_ =	shalt  }
0x7b: {  	_ =	shalt  }
0x7c: {  	_ =	shalt  }
0x7d: {  	_ =	shalt  }
0x7e: {  	_ =	shalt  }
0x7f: {  	_ =	shalt  }
0x80: {  	_ =	shalt  }
0x81: {  	_ =	shalt  }
0x82: {  	_ =	shalt  }
0x83: {  	_ =	shalt  }
0x84: {  	_ =	shalt  }
0x85: {  	_ =	shalt  }
0x86: {  	_ =	shalt  }
0x87: {  	_ =	shalt  }
.Lfunc_end0:
.L_simem_size_0:
called_computation.3_lowered:
.L_overlay_start_0:
0x88: {  	s2 =	sld [smem:$0x3FD9]  }
0x89: {  	s3 =	sld [smem:$0x3FFE];
	_ =	sdelay $0x1  }
0x8a: {  	s1 =	srdreg.scid  }
0x8b: {  	s0 =	sand.u32 $0x1, s1  }
0x8c: {  	s14 =	sshll.u32 s0, $0xA;
	s2 =	sadd.s32 s3, s2  }
0x8d: {  	s2 =	sadd.s32 s2, s14  }
0x8e: {  	[smem:$0x3FC5] =	sst s2  }
0x8f: {  	_ = 	snop  }
0x90: {  	s2 =	sld [smem:$0x3FD0];
	_ =	sdelay $0x2  }
0x91: {  	s15 =	simm.s32 $0xA;
	s4 =	simm.s32 $0x10  }
0x92: {  	[smem:s4], [sflag:s15] =	dma.local [hbm:s2], $0x1  }
0x93: {  	_ =	swait.eq [sflag:s15], $0x1  }
0x94: {  	[sflag:s15] =	ssyncset.done $0x0  }
0x95: {  	[sflag:s15] =	ssyncadd.s32 $0xFFFFFFFF  }
0x96: {  	s16 =	sld [smem:$0x11];
	(tm) =	ssettm $0x1  }
0x97: {  	s17 =	sld [smem:$0x3FFB];
	_ =	sdelay $0x3  }
0x98: {  	_ =	strace s17  }
0x99: {  	s3 =	sld [smem:$0x3FFC];
	_ =	sdelay $0x3  }
0x9a: {  	_ =	strace s3  }
0x9b: {  	s3 =	sld [smem:$0x3FFD];
	_ =	sdelay $0x3  }
0x9c: {  	_ =	strace s3  }
0x9d: {  	_ =	strace $0x8FFFFFFF  }
0x9e: {  	s18 =	sld [smem:$0x3FDB];
	_ =	sdelay $0x1  }
0x9f: {  	s19 =	simm.s32 $_scs_section_size  }
0xa0: {  	s5 =	simm.s32 $_size__tile_overlayer_lowered;
	s6 =	simm.s32 $_tile_overlayer_lowered  }
0xa1: {  	s22 =	simm.s32 $0x1BFF;
	s21 =	sshll.u32 s6, $0x1;
	s3 =	sadd.s32 s19, s18  }
0xa2: {  	s7 =	simm.s32 $0x0;
	s20 =	sshll.u32 s5, $0x1;
	s5 =	sadd.s32 s21, s3  }
0xa3: {  	[timem:s7], [sflag:s22] =	dma.local [hbm:s5], s20  }
0xa4: {  	_ =	swait.ge [sflag:s22], s20  }
0xa5: {  	s4 =	ssub.s32 $0x0, s20;
	[sflag:s22] =	ssyncset.done $0x0  }
0xa6: {  	[sflag:s22] =	ssyncadd.s32 s4;
	_ =	sdelay $0x1  }
0xa7: {  	s23 =	simm.s32 $0x1B8B  }
0xa8: {  	_ =	swait.ge [sflag:s23], $0x1  }
0xa9: {  	[sflag:s23] =	ssyncset.done $0x0  }
0xaa: {  	s25 =	simm.s32 $0x1B8E;
	s24 =	sld [smem:$0x3FFE];
	[sflag:s23] =	ssyncadd.s32 $0xFFFFFFFF  }
0xab: {  	s26 =	simm.s32 $execute0_lowered;
	[smem:$0x3FD2] =	sst s25  }
0xac: {  	s5 =	sshll.u32 s26, $0x1;
	_ =	strace $0x8000004C;
	[dreg:$0x1] =	wrdreg $0xFFFFFFFF  }
0xad: {  	s28 =	simm.s32 $_size_execute0_lowered;
	s3 =	sadd.s32 s3, s5;
	[dreg:$0x0] =	wrdreg $0x0  }
0xae: {  	s5 =	sshll.u32 s28, $0x1;
	[dreg:$0x2] =	wrdreg s3  }
0xaf: {  	[dreg:$0x3] =	wrdreg s5  }
0xb0: {  	[dreg:$0x4] =	wrdreg $0xC0  }
0xb1: {  	_ =	task [dreg:s7], $0x5FFFF  }
0xb2: {  	[dreg:$0x1] =	wrdreg $0xFFFFFFFF  }
0xb3: {  	[dreg:$0x0] =	wrdreg $0x60  }
0xb4: {  	[dreg:$0x2] =	wrdreg s24  }
0xb5: {  	[dreg:$0x3] =	wrdreg s16  }
0xb6: {  	[dreg:$0x4] =	wrdreg $0x9  }
0xb7: {  	_ =	task.clear_ibuf [dreg:s7], $0x5FFFF;
	_ =	strace $0x9000004C  }
0xb8: {  	s29 =	simm.s32 $0x9;
	_ =	strace $0x8000004E  }
0xb9: {  	_ =	swait.ge [sflag:s29], $0x1  }
0xba: {  	[sflag:s29] =	ssyncadd.s32 $0xFFFFFFFF  }
0xbb: {  	_ =	strace $0x9000004E  }
0xbc: {  	_ =	sfence  }
0xbd: {  	s30 =	sld [smem:$0x0];
	_ =	sdelay $0x2  }
0xbe: {  	s31 =	sshll.u32 s1, $0xD;
	s1 =	sshrl.u32 s1, $0x2  }
0xbf: {  	s3 =	sand.u32 $0x4000, s31;
	s1 =	sadd.s32 s1, s30  }
0xc0: {  	s0 =	sor.u32 s3, s0;
	s1 =	sshll.u32 s1, $0x11  }
0xc1: {  	s0 =	sor.u32 s1, s0  }
0xc2: {  	s0 =	sadd.s32 $0x8F2B, s0  }
0xc3: {  	[sflag:s0] =	ssyncadd.remote.s32 $0x1  }
0xc4: {  	_ =	sfence.sel $0xFFFF  }
0xc5: {  	[dreg:$0x0] =	wrdreg $0xFFFFFFFF;
	(pc) =	sbr.abs _section_cstart, $3  }
0xc6: {  	[dreg:$0x1] =	wrdreg $0xFFFFFFFF  }
0xc7: {  	_ =	task.clear_ibuf [dreg:s7], $0x2FFFF;
	_ =	strace $0x9FFFFFFF  }
0xc8: {  	(tm) =	ssettm $0x7FFFFFFF  }
0xc9: {  	_ =	shalt  }
tec
execute0_lowered:
.L_overlay_start_1:
0x0: {  	(tag) =	ssettag $0x1  }
0x1: {  	s0 =	srdreg.scid  }
0x2: {  	s1 =	sshll.u32 s0, $0x4  }
0x3: {  	s0 =	stileid.u32;
	s1 =	sand.u32 $0x10, s1  }
0x4: {  	s2 =	sor.u32 s0, s1  }
0x5: {  	s1 =	smin.u32 s2, $0x12  }
0x6: {  	s1 =	sadd.s32 s2, s1  }
0x7: {  	p0 =	slt.u32 s2, $0x12;
	s2 =	simm.s32 $0xA0;
	s1 =	smul.u32 $0x50, s1  }
0x8: {  	s2 =	simm.s32 @!p0 $0x50  }
0x9: {  	s2 =	sadd.s32 s2, s1  }
0xa: {  	s3 =	smin.u32 s2, $0xFA0  }
0xb: {  	s7 =	ssub.s32 s3, s1  }
0xc: {  	p0 =	sgt.s32 s7, $0x0  }
0xd: {  	s7 =	simm.s32 @!p0 $0x0  }
0xe: {  	s9 =	rddreg [dreg:$0x0];
	s31 =	smul.u32 $0xCCCD, s7  }
0xf: {  	s4 =	rddreg [dreg:$0x1];
	s6 =	simm.s32 $0x1  }
0x10: {  	s11 =	simm.s32 $0x3;
	s13 =	simm.s32 $0x0;
	s8 =	sshrl.u32 s31, $0x16  }
0x11: {  	s12 =	simm.s32 $0x0;
	s5 =	sadd.s32 $0x1400, s9;
	s10 =	smul.u32 $0x50, s8  }
.Ltmp0:
0x12: {  	s9 =	sadd.s32 $0x4F600, s9;
	s2 =	rddreg [dreg:$0x2];
	(pc) =	sbr.rel .LBB2_1-.Ltmp0, $4  }
0x13: {  	_ =	strace $0x8000004D;
	p0 =	sne.s32 s7, s10;
	s10 =	simm.s32 $0x1  }
0x14: {  	[sflag:s6] =	ssyncpa.u1 $0x0;
	s7 =	simm.s32 $0x2;
	s10 =	simm.s32 @!p0 $0x0  }
0x15: {  	[sflag:s7] =	ssyncpa.u1 $0x0;
	p0 =	por $0x0, $0x0;
	s8 =	sadd.s32 s8, s10  }
0x16: {  	vm0 =	vmmov $0xff;
	vm1 =	vcmask $0x3F20;
	[sflag:s11] =	ssyncpa.u1 $0x0;
	s11 =	smov.u32 s1;
	s10 =	sadd.s32 $0x1, s8  }
.LBB2_6:
0x17: {  	[hbm:s17] =	stream.linear.scatter [tilespmem:s14], [sflag:$0x3], $0x400, $0x38;
	[tilespmem:$0x50A0] =	vst v63  }
.LBB2_7:
0x18: {  	s13 =	sadd.s32 $0x50, s11  }
0x19: {  	s15 =	smov.u32 s1;
	p2 =	slt.s32 s13, s3  }
0x1a: {  	s15 =	smov.u32 @p2 s13;
	p2 =	sne.s32 s12, s10  }
.Ltmp1:
0x1b: {  	p1 =	slt.u32 s12, $0x2;
	(pc) =	sbr.rel @!p2 .LBB2_8-.Ltmp1, $4  }
0x1c: {  	s14 =	simm.s32 @!p1 $0x3  }
0x1d: {  	s16 =	sadd.s32 $0x1, s12;
	_ =	swait.ge @!p1 [sflag:s14], $0x2800  }
0x1e: {  	p0 =	por !p0, !p0;
	s13 =	smov.u32 s11;
	[sflag:s14] =	ssyncset.done @!p1 $0x0  }
0x1f: {  	s12 =	smov.u32 s16;
	s11 =	smov.u32 s15;
	[sflag:s14] =	ssyncadd.s32 @!p1 $0xFFFFD800  }
.LBB2_1:
0x20: {  	p1 =	sge.u32 s12, s8  }
0x21: {  	s14 =	sxor.u32 @!p1 $0xFFFFFFFF, s12  }
0x22: {  	s14 =	sand.u32 @!p1 $0x1, s14  }
0x23: {  	s14 =	smul.u32 @!p1 $0x140, s14  }
0x24: {  	s31 =	sadd.s32 $0xFFFFFFFF, s12;
	s15 =	sshrl.u32 @!p1 s11, $0x3  }
0x25: {  	s16 =	sand.u32 @!p1 $0x7, s11;
	s15 =	sadd.s32 @!p1 s4, s15;
	s14 =	sshrl.u32 @!p1 s14, $0x2  }
0x26: {  	[tilespmem:s14], [sflag:$0x2] =	stream.linear.gather @!p1 [hbm4b:s15+s16], $0x50, $0x38;
	[tilespmem:$0x50A0] =	vst v63  }
0x27: {  	p1 =	sge.u32 s31, s8  }
.Ltmp2:
0x28: {  	_ = 	snop;
	(pc) =	sbr.rel @p1 .LBB2_7-.Ltmp2, $1  }
0x29: {  	_ =	sdelay $0x3  }
0x2a: {  	s14 =	simm.s32 $0x1  }
0x2b: {  	s14 =	simm.s32 @!p0 $0x0  }
0x2c: {  	s15 =	smul.u32 $0x140, s14  }
0x2d: {  	_ =	swait.ge [sflag:s7], $0x50  }
0x2e: {  	[sflag:s7] =	ssyncset.done $0x0;
	s16 =	sshrl.u32 s15, $0x2  }
0x2f: {  	[sflag:s7] =	ssyncadd.s32 $0xFFFFFFB0;
	s15 =	sadd.s32 $0x0, s16  }
0x30: {  	v0 =	vld.msk [tilespmem:s15+$0x0 ss:$0x1], $0xffff;
	_ =	sdelay $0x4  }
0x31: {  	vm2 =	vgt.s32 v0, $0x0  }
0x32: {  	v0 =	vnsel vm2, $0x0, v0  }
0x33: {  	v0 =	vmin.u32 v0, $0x4E1F  }
0x34: {  	v0 =	vshll.u32 v0, $0x4  }
0x35: {  	s14 =	smul.u32 $0xA000, s14;
	_ =	sdelay $0x1  }
0x36: {  	s14 =	sshrl.u32 s14, $0x2  }
0x37: {  	s14 =	sor.u32 $0xA0, s14  }
0x38: {  	[tilespmem:s14], [sflag:$0x1] =	stream.indirect_vreg.gather [hbm:s5], $0x80, v0, vm0, $0x38;
	[tilespmem:$0x50A0] =	vst v63  }
0x39: {  	s17 =	sadd.s32 $0x10, s16;
	s15 =	sadd.s32 $0x400, s14  }
0x3a: {  	[tilespmem:s15], [sflag:$0x1] =	stream.indirect_vreg.gather [hbm:s5], $0x80, v0, vm1, $0x38;
	[tilespmem:$0x50A0] =	vst v63  }
0x3b: {  	s18 =	simm.s32 $0x80;
	v0 =	vld.msk [tilespmem:s17+$0x0 ss:$0x1], $0xffff;
	s17 =	smov.u32 s14  }
.LBB2_3:
0x3c: {  	p1 =	sne.s32 s18, $0x100;
	_ =	sdelay $0x4  }
0x3d: {  	vm2 =	vgt.s32 v0, $0x0  }
0x3e: {  	v0 =	vnsel vm2, $0x0, v0  }
0x3f: {  	v0 =	vmin.u32 v0, $0x4E1F  }
0x40: {  	v0 =	vshll.u32 v0, $0x4;
	_ =	sdelay $0x3  }
.Ltmp3:
0x41: {  	s19 =	sshra.s32 s18, $0x2;
	s17 =	sadd.s32 $0x800, s17;
	(pc) =	sbr.rel @p1 .LBB2_3-.Ltmp3, $4  }
0x42: {  	[tilespmem:s17], [sflag:$0x1] =	stream.indirect_vreg.gather [hbm:s5], $0x80, v0, vm0, $0x38;
	[tilespmem:$0x50A0] =	vst v63  }
0x43: {  	s19 =	sadd.s32 s19, s16;
	s20 =	sadd.s32 $0x400, s17  }
0x44: {  	[tilespmem:s20], [sflag:$0x1] =	stream.indirect_vreg.gather [hbm:s5], $0x80, v0, vm1, $0x38;
	[tilespmem:$0x50A0] =	vst v63  }
0x45: {  	s18 =	sadd.s32 $0x40, s18;
	v0 =	vld.msk [tilespmem:s19+$0x0 ss:$0x1], $0xffff  }
0x46: {  	_ =	sdelay $0x3  }
0x47: {  	vm2 =	vgt.s32 v0, $0x0  }
0x48: {  	v0 =	vnsel vm2, $0x0, v0  }
0x49: {  	v0 =	vmin.u32 v0, $0x4E1F  }
0x4a: {  	v0 =	vshll.u32 v0, $0x4;
	_ =	sdelay $0x3  }
0x4b: {  	s16 =	sadd.s32 $0x800, s17  }
0x4c: {  	[tilespmem:s16], [sflag:$0x1] =	stream.indirect_vreg.gather [hbm:s5], $0x80, v0, vm0, $0x38;
	[tilespmem:$0x50A0] =	vst v63  }
0x4d: {  	s16 =	sadd.s32 $0x400, s16  }
0x4e: {  	[tilespmem:s16], [sflag:$0x1] =	stream.indirect_vreg.gather [hbm:s5], $0x80, v0, vm1, $0x38;
	[tilespmem:$0x50A0] =	vst v63  }
0x4f: {  	s13 =	sshll.u32 s13, $0x4;
	_ =	swait.ge [sflag:s6], $0x2800  }
0x50: {  	s13 =	sadd.s32 s13, s9;
	[sflag:s6] =	ssyncset.done $0x0  }
0x51: {  	s17 =	sadd.s32 $0x0, s13;
	s16 =	simm.s32 $0x80;
	[sflag:s6] =	ssyncadd.s32 $0xFFFFD800  }
.LBB2_5:
0x52: {  	[hbm:s17] =	stream.linear.scatter [tilespmem:s14], [sflag:$0x3], $0x400, $0x38;
	[tilespmem:$0x50A0] =	vst v63  }
0x53: {  	s17 =	smov.u32 s16;
	s14 =	smov.u32 s15;
	p1 =	sne.s32 s16, $0x480  }
.Ltmp4:
0x54: {  	s16 =	sadd.s32 $0x80, s16;
	(pc) =	sbr.rel @p1 .LBB2_5-.Ltmp4, $2  }
0x55: {  	_ =	sdelay $0x2  }
0x56: {  	s15 =	sadd.s32 $0x400, s15;
	s17 =	sadd.s32 s17, s13  }
.Ltmp5:
0x57: {  	_ = 	snop;
	(pc) =	sbr.rel .LBB2_6-.Ltmp5, $1  }
0x58: {  	_ =	sdelay $0x3  }
.LBB2_8:
0x59: {  	_ =	sfence.sel $0x180000  }
0x5a: {  	s1 =	simm.s32 $0x2;
	[bflag:$0x0] =	sbarrier.arrive $0xFFFF  }
0x5b: {  	s30 =	simm.s32 $0x3;
	[sflag:s1] =	ssyncpa.u1 $0x1  }
0x5c: {  	s31 =	simm.s32 $0x1;
	[sflag:s30] =	ssyncpa.u1 $0x1  }
0x5d: {  	[sflag:s31] =	ssyncpa.u1 $0x1  }
0x5e: {  	p0 =	sne.s32 s0, $0x0;
	_ =	strace $0x9000004D  }
0x5f: {  	s0 =	sadd.s32 @!p0 $0x100000, s2;
	[bflag:$0x2] =	sbarrier.arrive $0xFFFF  }
0x60: {  	[sflag:s0] =	ssyncadd.tile.s32 @!p0 $0x1;
	_ =	shalt  }
.Lfunc_end2:
_tile_overlayer_lowered:
.L_overlay_start_2:
0x61: {  	(tag) =	ssettag $0x2  }
0x62: {  	s0 =	rddreg [dreg:$0x0];
	s2 =	stileid.u32  }
0x63: {  	s1 =	rddreg [dreg:$0x1];
	p0 =	sne.s32 s2, $0x0  }
0x64: {  	s3 =	rddreg [dreg:$0x2];
	[bflag:$0x3] =	sbarrier.arrive $0xFFFF;
	s2 =	simm.s32 @!p0 $0x1C01  }
0x65: {  	[timem:s3], [sflag:s2] =	dma.local @!p0 [hbm:s0], s1  }
0x66: {  	s0 =	simm.s32 @!p0 $0x1  }
0x67: {  	_ =	swait.ge @!p0 [sflag:s0], s1  }
0x68: {  	s1 =	ssub.s32 @!p0 $0x0, s1;
	[sflag:s0] =	ssyncset.done @!p0 $0x0  }
0x69: {  	[sflag:s0] =	ssyncadd.s32 @!p0 s1  }
0x6a: {  	[bflag:$0x3] =	sbarrier.arrive $0xFFFF  }
0x6b: {  	_ =	shalt  }

// kernel: gather_offload_async_start
scs
__scs_entry_jumppad:
0x0: {  	(pc) =	sbr.rel $0x88, $3  }
0x1: {  	(tag) =	ssettag $0x0;
	lr =	simm.s32 $0x1  }
0x2: {  	[smem:$0x3F9E] =	sst lr;
	_ =	strace $0xD0000000  }
0x3: {  	_ = 	snop  }
0x4: {  	_ = 	snop  }
0x5: {  	_ = 	snop  }
0x6: {  	_ = 	snop  }
0x7: {  	_ = 	snop  }
__scs_overlays_trampoline_lowered:
0x8: {  	[smem:$0x3FAD] =	sst s0  }
0x9: {  	[smem:$0x3FAE] =	sst s1  }
0xa: {  	[smem:$0x3FAF] =	sst s2  }
0xb: {  	[smem:$0x3FB0] =	sst s3  }
0xc: {  	[smem:$0x3FB1] =	sst s4  }
0xd: {  	[smem:$0x3FB2] =	sst s5  }
0xe: {  	[smem:$0x3FB3] =	sst s6  }
0xf: {  	[smem:$0x3FB4] =	sst s7  }
0x10: {  	[smem:$0x3FB5] =	sst s8  }
0x11: {  	[smem:$0x3FB6] =	sst s9;
	s0 =	simm.s32 @!p0 $0x0  }
0x12: {  	s1 =	sld [smem:$0x3F9C];
	s0 =	simm.s32 @p0 $0x1  }
0x13: {  	[smem:$0x3FB7] =	sst s0;
	s0 =	simm.s32 @!p1 $0x0  }
0x14: {  	s2 =	sld [smem:$0x3F9B];
	s0 =	simm.s32 @p1 $0x1  }
0x15: {  	[smem:$0x3FB8] =	sst s0;
	s0 =	simm.s32 @!p2 $0x0  }
0x16: {  	s3 =	sld [smem:$0x3FDB];
	s0 =	simm.s32 @p2 $0x1  }
0x17: {  	s4 =	simm.s32 $0x1BF5;
	[smem:$0x3FBA] =	sst s0  }
0x18: {  	s0 =	sld [smem:$0x3F9D];
	_ =	swait.ge [sflag:s4], $0x0  }
0x19: {  	s7 =	sld [smem:$0x3F9E]  }
0x1a: {  	s8 =	sadd.s32 $0xFFFFE003, lr  }
0x1b: {  	s9 =	sadd.s32 $0xFFFFFEF7, lr;
	s5 =	simm.s32 $0xFFFFFFFF;
	p2 =	slt.u32 s8, $0xFFFFF086  }
0x1c: {  	p1 =	slt.u32 s9, $0xF7A;
	s5 =	simm.s32 @!p2 $0x0  }
0x1d: {  	s5 =	simm.s32 @p1 $0x1;
	p0 =	seq.s32 s7, s2  }
0x1e: {  	s7 =	smul.u32 @!p0 $0xF7A, s2;
	p2 =	seq.s32 @!p0 s5, $0x0  }
0x1f: {  	s9 =	smul.u32 $0xF7A, s1;
	s8 =	simm.s32 @!p0 $0x1BF5;
	p2 =	por !p2, p0  }
0x20: {  	[sflag:s8] =	ssyncset.s32 @!p0 $0xFFFFF086;
	s6 =	sadd.s32 @!p0 s3, s7;
	s7 =	simm.s32 @!p0 $0x108  }
0x21: {  	s3 =	sadd.s32 s3, s9;
	s6 =	sadd.s32 @!p0 $0x88, s6;
	s7 =	simm.s32 @p2 $0x1082  }
0x22: {  	[simem:s7], [sflag:s8] =	dma.local @!p0 [hbm:s6], $0xF7A  }
0x23: {  	s9 =	sor.u32 $0xD0000000, s2;
	s6 =	simm.s32 $0x108;
	_ =	swait.ge @!p0 [sflag:s8], $0x0  }
0x24: {  	s3 =	sadd.s32 $0x88, s3;
	s6 =	simm.s32 @!p1 $0x1082;
	[sflag:s4] =	ssyncset.s32 $0xFFFFF086  }
0x25: {  	[simem:s6], [sflag:s4] =	dma.local [hbm:s3], $0xF7A  }
0x26: {  	[smem:$0x3F9E] =	sst s1;
	(tag) =	ssettag s2;
	_ =	strace s9  }
0x27: {  	s1 =	sld [smem:$0x3FAE]  }
0x28: {  	s2 =	sld [smem:$0x3FAF]  }
0x29: {  	s4 =	sld [smem:$0x3FB1]  }
0x2a: {  	p0 =	seq.s32 s5, $0x0;
	s5 =	sld [smem:$0x3FB2]  }
0x2b: {  	s6 =	sld [smem:$0x3FB3]  }
0x2c: {  	s7 =	sld [smem:$0x3FB4]  }
0x2d: {  	s3 =	simm.s32 $0x108;
	s8 =	sld [smem:$0x3FB5]  }
0x2e: {  	s3 =	simm.s32 @!p0 $0x1082;
	s9 =	sld [smem:$0x3FB6]  }
0x2f: {  	lr =	sadd.s32 s0, s3;
	s0 =	sld [smem:$0x3FAD]  }
0x30: {  	s3 =	sld [smem:$0x3FB0]  }
0x31: {  	[smem:$0x3FB9] =	sst s10  }
0x32: {  	s10 =	sld [smem:$0x3FB7];
	_ =	sdelay $0x3  }
0x33: {  	p0 =	seq.s32 s10, $0x1;
	s10 =	sld [smem:$0x3FB9];
	_ =	sdelay $0x3  }
0x34: {  	[smem:$0x3FB9] =	sst s10  }
0x35: {  	s10 =	sld [smem:$0x3FB8];
	_ =	sdelay $0x3  }
0x36: {  	p1 =	seq.s32 s10, $0x1;
	s10 =	sld [smem:$0x3FB9];
	_ =	sdelay $0x3  }
0x37: {  	[smem:$0x3FB9] =	sst s10  }
0x38: {  	s10 =	sld [smem:$0x3FBA]  }
0x39: {  	_ = 	snop;
	(pc) =	sbr.ind lr, $3  }
0x3a: {  	_ = 	snop  }
0x3b: {  	_ = 	snop  }
0x3c: {  	p2 =	seq.s32 s10, $0x1;
	s10 =	sld [smem:$0x3FB9]  }
0x3d: {  	_ =	shalt  }
0x3e: {  	_ =	shalt  }
0x3f: {  	_ =	shalt  }
0x40: {  	_ =	shalt  }
0x41: {  	_ =	shalt  }
0x42: {  	_ =	shalt  }
0x43: {  	_ =	shalt  }
0x44: {  	_ =	shalt  }
0x45: {  	_ =	shalt  }
0x46: {  	_ =	shalt  }
0x47: {  	_ =	shalt  }
0x48: {  	_ =	shalt  }
0x49: {  	_ =	shalt  }
0x4a: {  	_ =	shalt  }
0x4b: {  	_ =	shalt  }
0x4c: {  	_ =	shalt  }
0x4d: {  	_ =	shalt  }
0x4e: {  	_ =	shalt  }
0x4f: {  	_ =	shalt  }
0x50: {  	_ =	shalt  }
0x51: {  	_ =	shalt  }
0x52: {  	_ =	shalt  }
0x53: {  	_ =	shalt  }
0x54: {  	_ =	shalt  }
0x55: {  	_ =	shalt  }
0x56: {  	_ =	shalt  }
0x57: {  	_ =	shalt  }
0x58: {  	_ =	shalt  }
0x59: {  	_ =	shalt  }
0x5a: {  	_ =	shalt  }
0x5b: {  	_ =	shalt  }
0x5c: {  	_ =	shalt  }
0x5d: {  	_ =	shalt  }
0x5e: {  	_ =	shalt  }
0x5f: {  	_ =	shalt  }
0x60: {  	_ =	shalt  }
0x61: {  	_ =	shalt  }
0x62: {  	_ =	shalt  }
0x63: {  	_ =	shalt  }
0x64: {  	_ =	shalt  }
0x65: {  	_ =	shalt  }
0x66: {  	_ =	shalt  }
0x67: {  	_ =	shalt  }
0x68: {  	_ =	shalt  }
0x69: {  	_ =	shalt  }
0x6a: {  	_ =	shalt  }
0x6b: {  	_ =	shalt  }
0x6c: {  	_ =	shalt  }
0x6d: {  	_ =	shalt  }
0x6e: {  	_ =	shalt  }
0x6f: {  	_ =	shalt  }
0x70: {  	_ =	shalt  }
0x71: {  	_ =	shalt  }
0x72: {  	_ =	shalt  }
0x73: {  	_ =	shalt  }
0x74: {  	_ =	shalt  }
0x75: {  	_ =	shalt  }
0x76: {  	_ =	shalt  }
0x77: {  	_ =	shalt  }
0x78: {  	_ =	shalt  }
0x79: {  	_ =	shalt  }
0x7a: {  	_ =	shalt  }
0x7b: {  	_ =	shalt  }
0x7c: {  	_ =	shalt  }
0x7d: {  	_ =	shalt  }
0x7e: {  	_ =	shalt  }
0x7f: {  	_ =	shalt  }
0x80: {  	_ =	shalt  }
0x81: {  	_ =	shalt  }
0x82: {  	_ =	shalt  }
0x83: {  	_ =	shalt  }
0x84: {  	_ =	shalt  }
0x85: {  	_ =	shalt  }
0x86: {  	_ =	shalt  }
0x87: {  	_ =	shalt  }
.Lfunc_end0:
.L_simem_size_0:
called_computation.2_lowered:
.L_overlay_start_0:
0x88: {  	s2 =	sld [smem:$0x3FD9]  }
0x89: {  	s3 =	sld [smem:$0x3FFE];
	_ =	sdelay $0x1  }
0x8a: {  	s1 =	srdreg.scid  }
0x8b: {  	s0 =	sand.u32 $0x1, s1  }
0x8c: {  	s14 =	sshll.u32 s0, $0xA;
	s2 =	sadd.s32 s3, s2  }
0x8d: {  	s2 =	sadd.s32 s2, s14  }
0x8e: {  	[smem:$0x3FC5] =	sst s2  }
0x8f: {  	_ = 	snop  }
0x90: {  	s2 =	sld [smem:$0x3FD0];
	_ =	sdelay $0x2  }
0x91: {  	s15 =	simm.s32 $0xA;
	s4 =	simm.s32 $0x10  }
0x92: {  	[smem:s4], [sflag:s15] =	dma.local [hbm:s2], $0x1  }
0x93: {  	_ =	swait.eq [sflag:s15], $0x1  }
0x94: {  	[sflag:s15] =	ssyncset.done $0x0  }
0x95: {  	[sflag:s15] =	ssyncadd.s32 $0xFFFFFFFF  }
0x96: {  	s16 =	sld [smem:$0x11];
	(tm) =	ssettm $0x1  }
0x97: {  	s17 =	sld [smem:$0x3FFB];
	_ =	sdelay $0x3  }
0x98: {  	_ =	strace s17  }
0x99: {  	s3 =	sld [smem:$0x3FFC];
	_ =	sdelay $0x3  }
0x9a: {  	_ =	strace s3  }
0x9b: {  	s3 =	sld [smem:$0x3FFD];
	_ =	sdelay $0x3  }
0x9c: {  	_ =	strace s3  }
0x9d: {  	_ =	strace $0x8FFFFFFF  }
0x9e: {  	s18 =	sld [smem:$0x3FDB];
	_ =	sdelay $0x1  }
0x9f: {  	s19 =	simm.s32 $_scs_section_size  }
0xa0: {  	s5 =	simm.s32 $_size__tile_overlayer_lowered;
	s6 =	simm.s32 $_tile_overlayer_lowered  }
0xa1: {  	s22 =	simm.s32 $0x1BFF;
	s21 =	sshll.u32 s6, $0x1;
	s3 =	sadd.s32 s19, s18  }
0xa2: {  	s7 =	simm.s32 $0x0;
	s20 =	sshll.u32 s5, $0x1;
	s5 =	sadd.s32 s21, s3  }
0xa3: {  	[timem:s7], [sflag:s22] =	dma.local [hbm:s5], s20  }
0xa4: {  	_ =	swait.ge [sflag:s22], s20  }
0xa5: {  	s4 =	ssub.s32 $0x0, s20;
	[sflag:s22] =	ssyncset.done $0x0  }
0xa6: {  	[sflag:s22] =	ssyncadd.s32 s4;
	_ =	sdelay $0x1  }
0xa7: {  	s23 =	simm.s32 $0x1B8B  }
0xa8: {  	_ =	swait.ge [sflag:s23], $0x1  }
0xa9: {  	[sflag:s23] =	ssyncset.done $0x0  }
0xaa: {  	s25 =	simm.s32 $0x1B8E;
	s24 =	sld [smem:$0x3FFE];
	[sflag:s23] =	ssyncadd.s32 $0xFFFFFFFF  }
0xab: {  	s26 =	simm.s32 $execute0_lowered;
	[smem:$0x3FD2] =	sst s25  }
0xac: {  	s5 =	sshll.u32 s26, $0x1;
	_ =	strace $0x80000049;
	[dreg:$0x1] =	wrdreg $0xFFFFFFFF  }
0xad: {  	s28 =	simm.s32 $_size_execute0_lowered;
	s3 =	sadd.s32 s3, s5;
	[dreg:$0x0] =	wrdreg $0x0  }
0xae: {  	s5 =	sshll.u32 s28, $0x1;
	[dreg:$0x2] =	wrdreg s3  }
0xaf: {  	[dreg:$0x3] =	wrdreg s5  }
0xb0: {  	[dreg:$0x4] =	wrdreg $0xC0  }
0xb1: {  	_ =	task [dreg:s7], $0x5FFFF  }
0xb2: {  	[dreg:$0x1] =	wrdreg $0xFFFFFFFF  }
0xb3: {  	[dreg:$0x0] =	wrdreg $0x60  }
0xb4: {  	[dreg:$0x2] =	wrdreg s24  }
0xb5: {  	[dreg:$0x3] =	wrdreg s16  }
0xb6: {  	[dreg:$0x4] =	wrdreg $0x9  }
0xb7: {  	_ =	task.clear_ibuf [dreg:s7], $0x5FFFF;
	_ =	strace $0x90000049  }
0xb8: {  	s29 =	simm.s32 $0x9;
	_ =	strace $0x8000004B  }
0xb9: {  	_ =	swait.ge [sflag:s29], $0x1  }
0xba: {  	[sflag:s29] =	ssyncadd.s32 $0xFFFFFFFF  }
0xbb: {  	_ =	strace $0x9000004B  }
0xbc: {  	_ =	sfence  }
0xbd: {  	s30 =	sld [smem:$0x0];
	_ =	sdelay $0x2  }
0xbe: {  	s31 =	sshll.u32 s1, $0xD;
	s1 =	sshrl.u32 s1, $0x2  }
0xbf: {  	s3 =	sand.u32 $0x4000, s31;
	s1 =	sadd.s32 s1, s30  }
0xc0: {  	s0 =	sor.u32 s3, s0;
	s1 =	sshll.u32 s1, $0x11  }
0xc1: {  	s0 =	sor.u32 s1, s0  }
0xc2: {  	s0 =	sadd.s32 $0x8F2B, s0  }
0xc3: {  	[sflag:s0] =	ssyncadd.remote.s32 $0x1  }
0xc4: {  	_ =	sfence.sel $0xFFFF  }
0xc5: {  	[dreg:$0x0] =	wrdreg $0xFFFFFFFF;
	(pc) =	sbr.abs _section_cstart, $3  }
0xc6: {  	[dreg:$0x1] =	wrdreg $0xFFFFFFFF  }
0xc7: {  	_ =	task.clear_ibuf [dreg:s7], $0x2FFFF;
	_ =	strace $0x9FFFFFFF  }
0xc8: {  	(tm) =	ssettm $0x7FFFFFFF  }
0xc9: {  	_ =	shalt  }
tec
execute0_lowered:
.L_overlay_start_1:
0x0: {  	(tag) =	ssettag $0x1  }
0x1: {  	s2 =	rddreg [dreg:$0x0]  }
0x2: {  	s0 =	stileid.u32;
	s1 =	srdreg.scid  }
0x3: {  	s3 =	rddreg [dreg:$0x1];
	s8 =	simm.s32 $0x1;
	s9 =	simm.s32 $0x3  }
0x4: {  	s10 =	simm.s32 $0x0;
	s4 =	sand.u32 $0x1, s1;
	s5 =	sshll.u32 s0, $0x1  }
0x5: {  	s13 =	simm.s32 $0x0;
	s12 =	simm.s32 $0x0;
	s6 =	sor.u32 s5, s4  }
0x6: {  	s1 =	rddreg [dreg:$0x2];
	_ =	strace $0x8000004A;
	s4 =	smul.u32 $0x50, s6  }
0x7: {  	s5 =	simm.s32 $0x1;
	p0 =	slt.u32 s6, $0x13;
	s6 =	simm.s32 $0xA00  }
.Ltmp0:
0x8: {  	s6 =	simm.s32 @!p0 $0x0;
	s7 =	ssub.s32 $0xFA0, s4;
	(pc) =	sbr.rel .LBB2_1-.Ltmp0, $4  }
0x9: {  	s8 =	simm.s32 @!p0 $0x0;
	p0 =	sne.s32 s7, s6;
	s7 =	simm.s32 $0x1  }
0xa: {  	[sflag:s5] =	ssyncpa.u1 $0x0;
	s6 =	simm.s32 $0x2;
	s7 =	simm.s32 @!p0 $0x0  }
0xb: {  	s11 =	smov.u32 s4;
	[sflag:s6] =	ssyncpa.u1 $0x0;
	s7 =	sadd.s32 s8, s7  }
0xc: {  	vm0 =	vmmov $0xffff;
	s8 =	sadd.s32 $0xA00, s2;
	[sflag:s9] =	ssyncpa.u1 $0x0;
	s9 =	sadd.s32 $0x1, s7  }
.LBB2_4:
0xd: {  	v2 =	vnsel vm1, $0x0, v2  }
0xe: {  	vm1 =	vgt.s32 v0, $0x0;
	v2 =	vmin.u32 v2, $0x4E1F  }
0xf: {  	v0 =	vnsel vm1, $0x0, v0  }
0x10: {  	v0 =	vmin.u32 v0, $0x4E1F  }
0x11: {  	[tilespmem:s18], [sflag:$0x1] =	stream.indirect_vreg.gather [hbm4b:s2+s10], $0x1, v1, vm0, $0x4038;
	[tilespmem:$0x140] =	vst v63  }
0x12: {  	(ifvalue) =	ssetifvalue $0x7FFFFFFF  }
0x13: {  	[tilespmem:s15], [sflag:$0x1] =	stream.indirect_vreg.gather [hbm4b:s2+s10], $0x1, v2, vm0, $0x4038;
	[tilespmem:$0x140] =	vst v63  }
0x14: {  	s29 =	sadd.s32 $0x10, s15;
	(ifvalue) =	ssetifvalue $0x7FFFFFFF  }
0x15: {  	[tilespmem:s29], [sflag:$0x1] =	stream.indirect_vreg.gather [hbm4b:s2+s10], $0x1, v0, vm0, $0x4038;
	[tilespmem:$0x140] =	vst v63  }
0x16: {  	_ =	swait.ge [sflag:s5], $0x50  }
0x17: {  	s30 =	sshrl.u32 s13, $0x3;
	[sflag:s5] =	ssyncset.done $0x0  }
0x18: {  	s31 =	sand.u32 $0x7, s13;
	s15 =	sadd.s32 s8, s30;
	[sflag:s5] =	ssyncadd.s32 $0xFFFFFFB0  }
0x19: {  	[hbm4b:s15+s31] =	stream.linear.scatter [tilespmem:s14], [sflag:$0x3], $0x50, $0x38;
	[tilespmem:$0x140] =	vst v63  }
.LBB2_5:
0x1a: {  	s15 =	sadd.s32 $0xA00, s11  }
0x1b: {  	p1 =	sgt.s32 s15, $0xF9F  }
0x1c: {  	s15 =	smov.u32 @p1 s4;
	p1 =	sne.s32 s12, s9  }
.Ltmp1:
0x1d: {  	p0 =	slt.u32 s12, $0x2;
	(pc) =	sbr.rel @!p1 .LBB2_6-.Ltmp1, $4  }
0x1e: {  	s14 =	simm.s32 @!p0 $0x3  }
0x1f: {  	_ =	swait.ge @!p0 [sflag:s14], $0x50  }
0x20: {  	s16 =	sadd.s32 $0x1, s12;
	s13 =	smov.u32 s11;
	[sflag:s14] =	ssyncset.done @!p0 $0x0  }
0x21: {  	s12 =	smov.u32 s16;
	s11 =	smov.u32 s15;
	[sflag:s14] =	ssyncadd.s32 @!p0 $0xFFFFFFB0  }
.LBB2_1:
0x22: {  	p0 =	sge.u32 s12, s7  }
0x23: {  	s14 =	sxor.u32 @!p0 $0x1, s12  }
0x24: {  	s14 =	smul.u32 @!p0 $0x140, s14  }
0x25: {  	s31 =	sadd.s32 $0xFFFFFFFF, s12;
	s15 =	sshrl.u32 @!p0 s11, $0x3  }
0x26: {  	s16 =	sand.u32 @!p0 $0x7, s11;
	s15 =	sadd.s32 @!p0 s3, s15;
	s14 =	sshra.s32 @!p0 s14, $0x2  }
0x27: {  	[tilespmem:s14], [sflag:$0x2] =	stream.linear.gather @!p0 [hbm4b:s15+s16], $0x50, $0x38;
	[tilespmem:$0x140] =	vst v63  }
0x28: {  	p0 =	sge.u32 s31, s7  }
.Ltmp2:
0x29: {  	_ = 	snop;
	(pc) =	sbr.rel @p0 .LBB2_5-.Ltmp2, $1  }
0x2a: {  	_ =	sdelay $0x3  }
0x2b: {  	s14 =	sand.u32 $0x1, s12  }
0x2c: {  	_ =	swait.ge [sflag:s6], $0x50;
	p0 =	seq.s32 s14, $0x1;
	s14 =	simm.s32 $0x50  }
0x2d: {  	[sflag:s6] =	ssyncset.done $0x0;
	s14 =	simm.s32 @!p0 $0x0  }
0x2e: {  	[sflag:s6] =	ssyncadd.s32 $0xFFFFFFB0;
	(ifvalue) =	ssetifvalue $0x7FFFFFFF;
	v0 =	vld.msk [tilespmem:s14+$0x0 ss:$0x1], $0xffff;
	_ =	sdelay $0x4  }
0x2f: {  	s15 =	sadd.s32 $0x10, s14;
	vm1 =	vgt.s32 v0, $0x0  }
0x30: {  	v2 =	vld.msk [tilespmem:s15+$0x0 ss:$0x1], $0xffff;
	v1 =	vnsel vm1, $0x0, v0  }
0x31: {  	v1 =	vmin.u32 v1, $0x4E1F;
	_ =	sdelay $0x2  }
0x32: {  	s17 =	simm.s32 $0x20;
	s14 =	sor.u32 $0xA0, s14;
	s16 =	sadd.s32 $0x10, s15  }
0x33: {  	s15 =	sadd.s32 $0x10, s14;
	s18 =	smov.u32 s14;
	v0 =	vld.msk [tilespmem:s16+$0x0 ss:$0x1], $0xffff;
	vm1 =	vgt.s32 v2, $0x0;
	(ifvalue) =	ssetifvalue $0x7FFFFFFF  }
.LBB2_3:
0x34: {  	[tilespmem:s18], [sflag:$0x1] =	stream.indirect_vreg.gather [hbm4b:s2+s10], $0x1, v1, vm0, $0x4038;
	[tilespmem:$0x140] =	vst v63  }
0x35: {  	s17 =	sadd.s32 $0x10, s17  }
0x36: {  	v2 =	vnsel vm1, $0x0, v2;
	p0 =	slt.u32 s17, $0x40  }
.Ltmp3:
0x37: {  	s18 =	smov.u32 s15;
	v1 =	vmin.u32 v2, $0x4E1F;
	(pc) =	sbr.rel @p0 .LBB2_3-.Ltmp3, $3  }
0x38: {  	_ =	sdelay $0x1  }
0x39: {  	s16 =	sadd.s32 $0x10, s16  }
0x3a: {  	vm1 =	vgt.s32 v0, $0x0;
	s15 =	sadd.s32 $0x10, s15;
	v2 =	vmov v0;
	(ifvalue) =	ssetifvalue $0x7FFFFFFF;
	v0 =	vld.msk [tilespmem:s16+$0x0 ss:$0x1], $0xffff  }
.Ltmp4:
0x3b: {  	_ = 	snop;
	(pc) =	sbr.rel .LBB2_4-.Ltmp4, $1  }
0x3c: {  	_ =	sdelay $0x3  }
.LBB2_6:
0x3d: {  	_ =	sfence.sel $0x180000  }
0x3e: {  	s2 =	simm.s32 $0x2;
	[bflag:$0x0] =	sbarrier.arrive $0xFFFF  }
0x3f: {  	s30 =	simm.s32 $0x3;
	[sflag:s2] =	ssyncpa.u1 $0x1  }
0x40: {  	s31 =	simm.s32 $0x1;
	[sflag:s30] =	ssyncpa.u1 $0x1  }
0x41: {  	[sflag:s31] =	ssyncpa.u1 $0x1  }
0x42: {  	p0 =	sne.s32 s0, $0x0;
	_ =	strace $0x9000004A  }
0x43: {  	s0 =	sadd.s32 @!p0 $0x100000, s1;
	[bflag:$0x2] =	sbarrier.arrive $0xFFFF  }
0x44: {  	[sflag:s0] =	ssyncadd.tile.s32 @!p0 $0x1;
	_ =	shalt  }
.Lfunc_end2:
_tile_overlayer_lowered:
.L_overlay_start_2:
0x45: {  	(tag) =	ssettag $0x2  }
0x46: {  	s0 =	rddreg [dreg:$0x0];
	s2 =	stileid.u32  }
0x47: {  	s1 =	rddreg [dreg:$0x1];
	p0 =	sne.s32 s2, $0x0  }
0x48: {  	s3 =	rddreg [dreg:$0x2];
	[bflag:$0x3] =	sbarrier.arrive $0xFFFF;
	s2 =	simm.s32 @!p0 $0x1C01  }
0x49: {  	[timem:s3], [sflag:s2] =	dma.local @!p0 [hbm:s0], s1  }
0x4a: {  	s0 =	simm.s32 @!p0 $0x1  }
0x4b: {  	_ =	swait.ge @!p0 [sflag:s0], s1  }
0x4c: {  	s1 =	ssub.s32 @!p0 $0x0, s1;
	[sflag:s0] =	ssyncset.done @!p0 $0x0  }
0x4d: {  	[sflag:s0] =	ssyncadd.s32 @!p0 s1  }
0x4e: {  	[bflag:$0x3] =	sbarrier.arrive $0xFFFF  }
0x4f: {  	_ =	shalt  }

// kernel: scatter_offload_async_start.1
scs
__scs_entry_jumppad:
0x0: {  	(pc) =	sbr.rel $0x88, $3  }
0x1: {  	(tag) =	ssettag $0x0;
	lr =	simm.s32 $0x1  }
0x2: {  	[smem:$0x3F9E] =	sst lr;
	_ =	strace $0xD0000000  }
0x3: {  	_ = 	snop  }
0x4: {  	_ = 	snop  }
0x5: {  	_ = 	snop  }
0x6: {  	_ = 	snop  }
0x7: {  	_ = 	snop  }
__scs_overlays_trampoline_lowered:
0x8: {  	[smem:$0x3FAD] =	sst s0  }
0x9: {  	[smem:$0x3FAE] =	sst s1  }
0xa: {  	[smem:$0x3FAF] =	sst s2  }
0xb: {  	[smem:$0x3FB0] =	sst s3  }
0xc: {  	[smem:$0x3FB1] =	sst s4  }
0xd: {  	[smem:$0x3FB2] =	sst s5  }
0xe: {  	[smem:$0x3FB3] =	sst s6  }
0xf: {  	[smem:$0x3FB4] =	sst s7  }
0x10: {  	[smem:$0x3FB5] =	sst s8  }
0x11: {  	[smem:$0x3FB6] =	sst s9;
	s0 =	simm.s32 @!p0 $0x0  }
0x12: {  	s1 =	sld [smem:$0x3F9C];
	s0 =	simm.s32 @p0 $0x1  }
0x13: {  	[smem:$0x3FB7] =	sst s0;
	s0 =	simm.s32 @!p1 $0x0  }
0x14: {  	s2 =	sld [smem:$0x3F9B];
	s0 =	simm.s32 @p1 $0x1  }
0x15: {  	[smem:$0x3FB8] =	sst s0;
	s0 =	simm.s32 @!p2 $0x0  }
0x16: {  	s3 =	sld [smem:$0x3FDB];
	s0 =	simm.s32 @p2 $0x1  }
0x17: {  	s4 =	simm.s32 $0x1BF5;
	[smem:$0x3FBA] =	sst s0  }
0x18: {  	s0 =	sld [smem:$0x3F9D];
	_ =	swait.ge [sflag:s4], $0x0  }
0x19: {  	s7 =	sld [smem:$0x3F9E]  }
0x1a: {  	s8 =	sadd.s32 $0xFFFFE003, lr  }
0x1b: {  	s9 =	sadd.s32 $0xFFFFFEF7, lr;
	s5 =	simm.s32 $0xFFFFFFFF;
	p2 =	slt.u32 s8, $0xFFFFF086  }
0x1c: {  	p1 =	slt.u32 s9, $0xF7A;
	s5 =	simm.s32 @!p2 $0x0  }
0x1d: {  	s5 =	simm.s32 @p1 $0x1;
	p0 =	seq.s32 s7, s2  }
0x1e: {  	s7 =	smul.u32 @!p0 $0xF7A, s2;
	p2 =	seq.s32 @!p0 s5, $0x0  }
0x1f: {  	s9 =	smul.u32 $0xF7A, s1;
	s8 =	simm.s32 @!p0 $0x1BF5;
	p2 =	por !p2, p0  }
0x20: {  	[sflag:s8] =	ssyncset.s32 @!p0 $0xFFFFF086;
	s6 =	sadd.s32 @!p0 s3, s7;
	s7 =	simm.s32 @!p0 $0x108  }
0x21: {  	s3 =	sadd.s32 s3, s9;
	s6 =	sadd.s32 @!p0 $0x88, s6;
	s7 =	simm.s32 @p2 $0x1082  }
0x22: {  	[simem:s7], [sflag:s8] =	dma.local @!p0 [hbm:s6], $0xF7A  }
0x23: {  	s9 =	sor.u32 $0xD0000000, s2;
	s6 =	simm.s32 $0x108;
	_ =	swait.ge @!p0 [sflag:s8], $0x0  }
0x24: {  	s3 =	sadd.s32 $0x88, s3;
	s6 =	simm.s32 @!p1 $0x1082;
	[sflag:s4] =	ssyncset.s32 $0xFFFFF086  }
0x25: {  	[simem:s6], [sflag:s4] =	dma.local [hbm:s3], $0xF7A  }
0x26: {  	[smem:$0x3F9E] =	sst s1;
	(tag) =	ssettag s2;
	_ =	strace s9  }
0x27: {  	s1 =	sld [smem:$0x3FAE]  }
0x28: {  	s2 =	sld [smem:$0x3FAF]  }
0x29: {  	s4 =	sld [smem:$0x3FB1]  }
0x2a: {  	p0 =	seq.s32 s5, $0x0;
	s5 =	sld [smem:$0x3FB2]  }
0x2b: {  	s6 =	sld [smem:$0x3FB3]  }
0x2c: {  	s7 =	sld [smem:$0x3FB4]  }
0x2d: {  	s3 =	simm.s32 $0x108;
	s8 =	sld [smem:$0x3FB5]  }
0x2e: {  	s3 =	simm.s32 @!p0 $0x1082;
	s9 =	sld [smem:$0x3FB6]  }
0x2f: {  	lr =	sadd.s32 s0, s3;
	s0 =	sld [smem:$0x3FAD]  }
0x30: {  	s3 =	sld [smem:$0x3FB0]  }
0x31: {  	[smem:$0x3FB9] =	sst s10  }
0x32: {  	s10 =	sld [smem:$0x3FB7];
	_ =	sdelay $0x3  }
0x33: {  	p0 =	seq.s32 s10, $0x1;
	s10 =	sld [smem:$0x3FB9];
	_ =	sdelay $0x3  }
0x34: {  	[smem:$0x3FB9] =	sst s10  }
0x35: {  	s10 =	sld [smem:$0x3FB8];
	_ =	sdelay $0x3  }
0x36: {  	p1 =	seq.s32 s10, $0x1;
	s10 =	sld [smem:$0x3FB9];
	_ =	sdelay $0x3  }
0x37: {  	[smem:$0x3FB9] =	sst s10  }
0x38: {  	s10 =	sld [smem:$0x3FBA]  }
0x39: {  	_ = 	snop;
	(pc) =	sbr.ind lr, $3  }
0x3a: {  	_ = 	snop  }
0x3b: {  	_ = 	snop  }
0x3c: {  	p2 =	seq.s32 s10, $0x1;
	s10 =	sld [smem:$0x3FB9]  }
0x3d: {  	_ =	shalt  }
0x3e: {  	_ =	shalt  }
0x3f: {  	_ =	shalt  }
0x40: {  	_ =	shalt  }
0x41: {  	_ =	shalt  }
0x42: {  	_ =	shalt  }
0x43: {  	_ =	shalt  }
0x44: {  	_ =	shalt  }
0x45: {  	_ =	shalt  }
0x46: {  	_ =	shalt  }
0x47: {  	_ =	shalt  }
0x48: {  	_ =	shalt  }
0x49: {  	_ =	shalt  }
0x4a: {  	_ =	shalt  }
0x4b: {  	_ =	shalt  }
0x4c: {  	_ =	shalt  }
0x4d: {  	_ =	shalt  }
0x4e: {  	_ =	shalt  }
0x4f: {  	_ =	shalt  }
0x50: {  	_ =	shalt  }
0x51: {  	_ =	shalt  }
0x52: {  	_ =	shalt  }
0x53: {  	_ =	shalt  }
0x54: {  	_ =	shalt  }
0x55: {  	_ =	shalt  }
0x56: {  	_ =	shalt  }
0x57: {  	_ =	shalt  }
0x58: {  	_ =	shalt  }
0x59: {  	_ =	shalt  }
0x5a: {  	_ =	shalt  }
0x5b: {  	_ =	shalt  }
0x5c: {  	_ =	shalt  }
0x5d: {  	_ =	shalt  }
0x5e: {  	_ =	shalt  }
0x5f: {  	_ =	shalt  }
0x60: {  	_ =	shalt  }
0x61: {  	_ =	shalt  }
0x62: {  	_ =	shalt  }
0x63: {  	_ =	shalt  }
0x64: {  	_ =	shalt  }
0x65: {  	_ =	shalt  }
0x66: {  	_ =	shalt  }
0x67: {  	_ =	shalt  }
0x68: {  	_ =	shalt  }
0x69: {  	_ =	shalt  }
0x6a: {  	_ =	shalt  }
0x6b: {  	_ =	shalt  }
0x6c: {  	_ =	shalt  }
0x6d: {  	_ =	shalt  }
0x6e: {  	_ =	shalt  }
0x6f: {  	_ =	shalt  }
0x70: {  	_ =	shalt  }
0x71: {  	_ =	shalt  }
0x72: {  	_ =	shalt  }
0x73: {  	_ =	shalt  }
0x74: {  	_ =	shalt  }
0x75: {  	_ =	shalt  }
0x76: {  	_ =	shalt  }
0x77: {  	_ =	shalt  }
0x78: {  	_ =	shalt  }
0x79: {  	_ =	shalt  }
0x7a: {  	_ =	shalt  }
0x7b: {  	_ =	shalt  }
0x7c: {  	_ =	shalt  }
0x7d: {  	_ =	shalt  }
0x7e: {  	_ =	shalt  }
0x7f: {  	_ =	shalt  }
0x80: {  	_ =	shalt  }
0x81: {  	_ =	shalt  }
0x82: {  	_ =	shalt  }
0x83: {  	_ =	shalt  }
0x84: {  	_ =	shalt  }
0x85: {  	_ =	shalt  }
0x86: {  	_ =	shalt  }
0x87: {  	_ =	shalt  }
.Lfunc_end0:
.L_simem_size_0:
called_computation.1_lowered:
.L_overlay_start_0:
0x88: {  	s0 =	sld [smem:$0x3FD9]  }
0x89: {  	s1 =	sld [smem:$0x3FFE];
	_ =	sdelay $0x3  }
0x8a: {  	s0 =	sadd.s32 s1, s0  }
0x8b: {  	[smem:$0x3FC5] =	sst s0  }
0x8c: {  	_ = 	snop  }
0x8d: {  	s0 =	sld [smem:$0x3FD0];
	_ =	sdelay $0x2  }
0x8e: {  	s13 =	simm.s32 $0xA;
	s2 =	simm.s32 $0x10  }
0x8f: {  	[smem:s2], [sflag:s13] =	dma.local [hbm:s0], $0x1  }
0x90: {  	_ =	swait.eq [sflag:s13], $0x1  }
0x91: {  	[sflag:s13] =	ssyncset.done $0x0  }
0x92: {  	s14 =	sld [smem:$0x11];
	[sflag:s13] =	ssyncadd.s32 $0xFFFFFFFF  }
0x93: {  	s15 =	sld [smem:$0x12];
	(tm) =	ssettm $0x1  }
0x94: {  	s16 =	sld [smem:$0x3FFB];
	_ =	sdelay $0x3  }
0x95: {  	_ =	strace s16  }
0x96: {  	s2 =	sld [smem:$0x3FFC];
	_ =	sdelay $0x3  }
0x97: {  	_ =	strace s2  }
0x98: {  	s2 =	sld [smem:$0x3FFD];
	_ =	sdelay $0x3  }
0x99: {  	_ =	strace s2  }
0x9a: {  	_ =	strace $0x8FFFFFFF  }
0x9b: {  	s17 =	sld [smem:$0x3FDB];
	_ =	sdelay $0x1  }
0x9c: {  	s3 =	simm.s32 $_scs_section_size  }
0x9d: {  	s4 =	simm.s32 $_size__tile_overlayer_lowered;
	s5 =	simm.s32 $_tile_overlayer_lowered  }
0x9e: {  	s20 =	simm.s32 $0x1BFF;
	s19 =	sshll.u32 s5, $0x1;
	s2 =	sadd.s32 s3, s17  }
0x9f: {  	s6 =	simm.s32 $0x0;
	s18 =	sshll.u32 s4, $0x1;
	s4 =	sadd.s32 s19, s2  }
0xa0: {  	[timem:s6], [sflag:s20] =	dma.local [hbm:s4], s18  }
0xa1: {  	_ =	swait.ge [sflag:s20], s18  }
0xa2: {  	s3 =	ssub.s32 $0x0, s18;
	[sflag:s20] =	ssyncset.done $0x0  }
0xa3: {  	[sflag:s20] =	ssyncadd.s32 s3;
	_ =	sdelay $0x1  }
0xa4: {  	s21 =	simm.s32 $0x1B8B  }
0xa5: {  	_ =	swait.ge [sflag:s21], $0x1  }
0xa6: {  	[sflag:s21] =	ssyncset.done $0x0  }
0xa7: {  	s23 =	simm.s32 $0x1B8E;
	s22 =	sld [smem:$0x3FFE];
	[sflag:s21] =	ssyncadd.s32 $0xFFFFFFFF  }
0xa8: {  	s24 =	simm.s32 $execute0_lowered;
	[smem:$0x3FD2] =	sst s23  }
0xa9: {  	s4 =	sshll.u32 s24, $0x1;
	_ =	strace $0x8000004F;
	[dreg:$0x1] =	wrdreg $0xFFFFFFFF  }
0xaa: {  	s25 =	simm.s32 $_size_execute0_lowered;
	s2 =	sadd.s32 s2, s4;
	[dreg:$0x0] =	wrdreg $0x0  }
0xab: {  	s4 =	sshll.u32 s25, $0x1;
	[dreg:$0x2] =	wrdreg s2  }
0xac: {  	[dreg:$0x3] =	wrdreg s4  }
0xad: {  	[dreg:$0x4] =	wrdreg $0xC0  }
0xae: {  	_ =	task [dreg:s6], $0x5FFFF  }
0xaf: {  	[dreg:$0x1] =	wrdreg $0xFFFFFFFF  }
0xb0: {  	[dreg:$0x0] =	wrdreg $0x60  }
0xb1: {  	[dreg:$0x2] =	wrdreg s15  }
0xb2: {  	[dreg:$0x3] =	wrdreg s14  }
0xb3: {  	[dreg:$0x4] =	wrdreg s22  }
0xb4: {  	[dreg:$0x5] =	wrdreg $0x9  }
0xb5: {  	_ =	task.clear_ibuf [dreg:s6], $0x6FFFF;
	_ =	strace $0x9000004F  }
0xb6: {  	s26 =	simm.s32 $0x9;
	_ =	strace $0x80000051  }
0xb7: {  	_ =	swait.ge [sflag:s26], $0x1  }
0xb8: {  	[sflag:s26] =	ssyncadd.s32 $0xFFFFFFFF  }
0xb9: {  	_ =	strace $0x90000051  }
0xba: {  	_ =	sfence  }
0xbb: {  	s28 =	sld [smem:$0x0];
	_ =	sdelay $0x1  }
0xbc: {  	s29 =	srdreg.scid  }
0xbd: {  	s30 =	sshll.u32 s29, $0xD;
	s31 =	sshrl.u32 s29, $0x2  }
0xbe: {  	s1 =	sand.u32 $0x1, s29;
	s2 =	sand.u32 $0x4000, s30;
	s0 =	sadd.s32 s31, s28  }
0xbf: {  	s1 =	sor.u32 s2, s1;
	s0 =	sshll.u32 s0, $0x11  }
0xc0: {  	s0 =	sor.u32 s0, s1  }
0xc1: {  	s0 =	sadd.s32 $0x8F2B, s0  }
0xc2: {  	[sflag:s0] =	ssyncadd.remote.s32 $0x1  }
0xc3: {  	_ =	sfence.sel $0xFFFF  }
0xc4: {  	[dreg:$0x0] =	wrdreg $0xFFFFFFFF;
	(pc) =	sbr.abs _section_cstart, $3  }
0xc5: {  	[dreg:$0x1] =	wrdreg $0xFFFFFFFF  }
0xc6: {  	_ =	task.clear_ibuf [dreg:s6], $0x2FFFF;
	_ =	strace $0x9FFFFFFF  }
0xc7: {  	(tm) =	ssettm $0x7FFFFFFF  }
tec
execute0_lowered:
.L_overlay_start_1:
0x0: {  	(tag) =	ssettag $0x1  }
0x1: {  	s1 =	rddreg [dreg:$0x0]  }
0x2: {  	s0 =	rddreg [dreg:$0x1]  }
0x3: {  	s2 =	rddreg [dreg:$0x2]  }
0x4: {  	s3 =	stileid.u32;
	s4 =	simm.s32 $0x3E;
	[dreg:$0x4] =	wrdreg s0  }
0x5: {  	s0 =	rddreg [dreg:$0x3];
	s2 =	sadd.s32 $0x200, s2;
	p0 =	sne.s32 s3, $0x0  }
0x6: {  	s29 =	smin.u32 s3, $0x9;
	_ =	strace $0x80000050;
	[dreg:$0x5] =	wrdreg s2  }
0x7: {  	s2 =	simm.s32 @!p0 $0x1C3E;
	s5 =	simm.s32 @!p0 $0x0;
	[sflag:s4] =	ssyncpa.u1 $0x0  }
0x8: {  	[spmem:s5], [sflag:s2] =	dma.local @!p0 [hbm:s1], $0x80  }
0x9: {  	s2 =	sadd.s32 s3, s29  }
0xa: {  	p1 =	slt.u32 s3, $0x9;
	s3 =	simm.s32 $0x140;
	s2 =	smul.u32 $0xA0, s2  }
0xb: {  	s3 =	simm.s32 @!p1 $0xA0  }
0xc: {  	s3 =	sadd.s32 s3, s2  }
0xd: {  	s3 =	smin.u32 s3, $0xFA0  }
0xe: {  	s5 =	ssub.s32 s3, s2  }
0xf: {  	p1 =	sgt.s32 s5, $0x0  }
0x10: {  	s5 =	simm.s32 @!p1 $0x0  }
0x11: {  	s6 =	simm.s32 @!p0 $0x3E;
	s7 =	smul.u32 $0xCCCD, s5  }
0x12: {  	_ =	swait.ge @!p0 [sflag:s6], $0x80  }
0x13: {  	[sflag:s6] =	ssyncset.done @!p0 $0x0;
	s30 =	sshrl.u32 s7, $0x17  }
0x14: {  	[sflag:s6] =	ssyncadd.s32 @!p0 $0xFFFFFF80;
	s7 =	smul.u32 $0xA0, s30  }
0x15: {  	[bflag:$0x0] =	sbarrier.arrive $0xFFFF  }
0x16: {  	[sflag:s4] =	ssyncpa.u1 $0x1;
	s4 =	simm.s32 $0x1;
	p1 =	sne.s32 s5, s7  }
0x17: {  	s31 =	simm.s32 $0x2;
	[sflag:s4] =	ssyncpa.u1 $0x0;
	s4 =	simm.s32 @!p1 $0x0  }
0x18: {  	s6 =	simm.s32 $0x0;
	(ifvalue) =	ssetifvalue $0x400;
	s4 =	sadd.s32 s30, s4  }
0x19: {  	[sflag:s31] =	ssyncpa.u1 $0x0;
	s7 =	smov.u32 s2;
	s5 =	sadd.s32 $0x1, s4  }
.LBB2_1:
0x1a: {  	p1 =	sge.u32 s6, s4  }
0x1b: {  	s8 =	sxor.u32 @!p1 $0xFFFFFFFF, s6  }
0x1c: {  	s8 =	sand.u32 @!p1 $0x1, s8  }
0x1d: {  	s9 =	rddreg [dreg:$0x4];
	s8 =	smul.u32 @!p1 $0xA0, s8  }
0x1e: {  	s11 =	rddreg [dreg:$0x5];
	s10 =	sshrl.u32 @!p1 s7, $0x3  }
0x1f: {  	s13 =	sand.u32 @!p1 $0x7, s7;
	s9 =	sadd.s32 @!p1 s9, s10;
	s12 =	sadd.s32 @!p1 $0x40, s8  }
0x20: {  	[tilespmem:s12], [sflag:$0x2] =	stream.linear.gather @!p1 [hbm4b:s9+s13], $0xA0, $0x38;
	[tilespmem:$0x2C0] =	vst v63  }
0x21: {  	s8 =	sadd.s32 @!p1 $0x180, s8;
	s9 =	sadd.s32 @!p1 s11, s10  }
0x22: {  	[tilespmem:s8], [sflag:$0x2] =	stream.linear.gather @!p1 [hbm4b:s9+s13], $0xA0, $0x38;
	[tilespmem:$0x2C0] =	vst v63  }
0x23: {  	p1 =	seq.s32 s6, $0x0  }
0x24: {  	s8 =	sand.u32 @!p1 $0x1, s6  }
0x25: {  	s9 =	simm.s32 @!p1 $0x2;
	p2 =	seq.s32 @!p1 s8, $0x1  }
0x26: {  	_ =	swait.ge @!p1 [sflag:s9], $0x140;
	s8 =	simm.s32 @!p1 $0xA0;
	p2 =	por !p2, p1  }
0x27: {  	[sflag:s9] =	ssyncset.done @!p1 $0x0;
	s8 =	simm.s32 @p2 $0x0  }
0x28: {  	[sflag:s9] =	ssyncadd.s32 @!p1 $0xFFFFFEC0;
	s9 =	sor.u32 @!p1 $0x40, s8  }
0x29: {  	v0 =	vld.msk @!p1 [tilespmem:s9+$0x0 ss:$0x1], $0xffff;
	_ =	sdelay $0x4  }
0x2a: {  	v0 =	vmin.u32 @!p1 v0, $0x400;
	_ =	sdelay $0x3  }
0x2b: {  	vm0 =	vmmov @!p1 $0xffff;
	s10 =	simm.s32 @!p1 $0x0;
	s9 =	sadd.s32 @!p1 $0x180, s8  }
0x2c: {  	[spmem:s10] =	stream.indirect_vreg.scatter.add.s32 @!p1 [tilespmem:s9], [sflag:$0x1], $0x1, v0, vm0, $0x4038;
	[tilespmem:$0x2C0] =	vst v63  }
0x2d: {  	s9 =	sor.u32 @!p1 $0x50, s8  }
0x2e: {  	v0 =	vld.msk @!p1 [tilespmem:s9+$0x0 ss:$0x1], $0xffff;
	_ =	sdelay $0x4  }
0x2f: {  	v0 =	vmin.u32 @!p1 v0, $0x400;
	_ =	sdelay $0x3  }
0x30: {  	s9 =	sadd.s32 @!p1 $0x190, s8  }
0x31: {  	[spmem:s10] =	stream.indirect_vreg.scatter.add.s32 @!p1 [tilespmem:s9], [sflag:$0x1], $0x1, v0, vm0, $0x4038;
	[tilespmem:$0x2C0] =	vst v63  }
0x32: {  	v0 =	vld.msk @!p1 [tilespmem:s8+$0x60 ss:$0x1], $0xffff;
	_ =	sdelay $0x4  }
0x33: {  	v0 =	vmin.u32 @!p1 v0, $0x400;
	_ =	sdelay $0x3  }
0x34: {  	s9 =	sadd.s32 @!p1 $0x1A0, s8  }
0x35: {  	[spmem:s10] =	stream.indirect_vreg.scatter.add.s32 @!p1 [tilespmem:s9], [sflag:$0x1], $0x1, v0, vm0, $0x4038;
	[tilespmem:$0x2C0] =	vst v63  }
0x36: {  	v0 =	vld.msk @!p1 [tilespmem:s8+$0x70 ss:$0x1], $0xffff;
	_ =	sdelay $0x4  }
0x37: {  	v0 =	vmin.u32 @!p1 v0, $0x400;
	_ =	sdelay $0x3  }
0x38: {  	s9 =	sadd.s32 @!p1 $0x1B0, s8  }
0x39: {  	[spmem:s10] =	stream.indirect_vreg.scatter.add.s32 @!p1 [tilespmem:s9], [sflag:$0x1], $0x1, v0, vm0, $0x4038;
	[tilespmem:$0x2C0] =	vst v63  }
0x3a: {  	v0 =	vld.msk @!p1 [tilespmem:s8+$0x80 ss:$0x1], $0xffff;
	_ =	sdelay $0x4  }
0x3b: {  	v0 =	vmin.u32 @!p1 v0, $0x400;
	_ =	sdelay $0x3  }
0x3c: {  	s9 =	sadd.s32 @!p1 $0x1C0, s8  }
0x3d: {  	[spmem:s10] =	stream.indirect_vreg.scatter.add.s32 @!p1 [tilespmem:s9], [sflag:$0x1], $0x1, v0, vm0, $0x4038;
	[tilespmem:$0x2C0] =	vst v63  }
0x3e: {  	v0 =	vld.msk @!p1 [tilespmem:s8+$0x90 ss:$0x1], $0xffff;
	_ =	sdelay $0x4  }
0x3f: {  	v0 =	vmin.u32 @!p1 v0, $0x400;
	_ =	sdelay $0x3  }
0x40: {  	s9 =	sadd.s32 @!p1 $0x1D0, s8  }
0x41: {  	[spmem:s10] =	stream.indirect_vreg.scatter.add.s32 @!p1 [tilespmem:s9], [sflag:$0x1], $0x1, v0, vm0, $0x4038;
	[tilespmem:$0x2C0] =	vst v63  }
0x42: {  	v0 =	vld.msk @!p1 [tilespmem:s8+$0xA0 ss:$0x1], $0xffff;
	_ =	sdelay $0x4  }
0x43: {  	v0 =	vmin.u32 @!p1 v0, $0x400;
	_ =	sdelay $0x3  }
0x44: {  	s9 =	sadd.s32 @!p1 $0x1E0, s8  }
0x45: {  	[spmem:s10] =	stream.indirect_vreg.scatter.add.s32 @!p1 [tilespmem:s9], [sflag:$0x1], $0x1, v0, vm0, $0x4038;
	[tilespmem:$0x2C0] =	vst v63  }
0x46: {  	v0 =	vld.msk @!p1 [tilespmem:s8+$0xB0 ss:$0x1], $0xffff;
	_ =	sdelay $0x4  }
0x47: {  	v0 =	vmin.u32 @!p1 v0, $0x400;
	_ =	sdelay $0x3  }
0x48: {  	s9 =	sadd.s32 @!p1 $0x1F0, s8  }
0x49: {  	[spmem:s10] =	stream.indirect_vreg.scatter.add.s32 @!p1 [tilespmem:s9], [sflag:$0x1], $0x1, v0, vm0, $0x4038;
	[tilespmem:$0x2C0] =	vst v63  }
0x4a: {  	v0 =	vld.msk @!p1 [tilespmem:s8+$0xC0 ss:$0x1], $0xffff;
	_ =	sdelay $0x4  }
0x4b: {  	v0 =	vmin.u32 @!p1 v0, $0x400;
	_ =	sdelay $0x3  }
0x4c: {  	s9 =	sor.u32 @!p1 $0x200, s8  }
0x4d: {  	[spmem:s10] =	stream.indirect_vreg.scatter.add.s32 @!p1 [tilespmem:s9], [sflag:$0x1], $0x1, v0, vm0, $0x4038;
	[tilespmem:$0x2C0] =	vst v63  }
0x4e: {  	v0 =	vld.msk @!p1 [tilespmem:s8+$0xD0 ss:$0x1], $0xffff;
	_ =	sdelay $0x4  }
0x4f: {  	v0 =	vmin.u32 @!p1 v0, $0x400;
	_ =	sdelay $0x2  }
0x50: {  	s6 =	sadd.s32 $0x1, s6  }
0x51: {  	p3 =	sne.s32 s5, s6;
	s8 =	sor.u32 @!p1 $0x210, s8  }
0x52: {  	[spmem:s10] =	stream.indirect_vreg.scatter.add.s32 @!p1 [tilespmem:s8], [sflag:$0x1], $0x1, v0, vm0, $0x4038;
	[tilespmem:$0x2C0] =	vst v63  }
.Ltmp0:
0x53: {  	_ = 	snop;
	(pc) =	sbr.rel @p3 .LBB2_1-.Ltmp0, $4  }
0x54: {  	s8 =	simm.s32 @!p1 $0x1  }
0x55: {  	s9 =	sadd.s32 $0xA0, s7;
	_ =	swait.ge @!p1 [sflag:s8], $0xA0  }
0x56: {  	s7 =	smov.u32 s2;
	p2 =	slt.s32 s9, s3;
	[sflag:s8] =	ssyncset.done @!p1 $0x0  }
0x57: {  	s7 =	smov.u32 @p2 s9;
	[sflag:s8] =	ssyncadd.s32 @!p1 $0xFFFFFF60  }
0x58: {  	_ =	sfence.sel $0x180000  }
0x59: {  	s2 =	simm.s32 $0x2;
	[bflag:$0x0] =	sbarrier.arrive $0xFFFF  }
0x5a: {  	s30 =	simm.s32 $0x1;
	[sflag:s2] =	ssyncpa.u1 $0x1  }
0x5b: {  	[sflag:s30] =	ssyncpa.u1 $0x1  }
0x5c: {  	_ =	sfence.stream.spmem  }
0x5d: {  	s31 =	simm.s32 $0x3D;
	[bflag:$0x0] =	sbarrier.arrive $0xFFFF  }
0x5e: {  	s2 =	simm.s32 @p0 $0x3D;
	[sflag:s31] =	ssyncpa.u1 $0x0  }
0x5f: {  	[sflag:s2] =	ssyncpa.u1 @p0 $0x1  }
0x60: {  	[bflag:$0x0] =	sbarrier.arrive @p0 $0xFFFF  }
0x61: {  	_ =	strace @p0 $0x90000050  }
0x62: {  	s3 =	simm.s32 @!p0 $0x1C3D;
	s2 =	simm.s32 @!p0 $0x0;
	[bflag:$0x2] =	sbarrier.arrive @p0 $0xFFFF  }
0x63: {  	[hbm:s1], [sflag:s3] =	dma.local @!p0 [spmem:s2], $0x80  }
0x64: {  	s1 =	simm.s32 @!p0 $0x3D  }
0x65: {  	_ =	swait.ge @!p0 [sflag:s1], $0x80  }
0x66: {  	[sflag:s1] =	ssyncset.done @!p0 $0x0  }
0x67: {  	[sflag:s1] =	ssyncadd.s32 @!p0 $0xFFFFFF80  }
0x68: {  	[sflag:s1] =	ssyncpa.u1 @!p0 $0x1  }
0x69: {  	[bflag:$0x0] =	sbarrier.arrive @!p0 $0xFFFF  }
0x6a: {  	_ =	strace @!p0 $0x90000050  }
0x6b: {  	s0 =	sadd.s32 @!p0 $0x100000, s0;
	[bflag:$0x2] =	sbarrier.arrive @!p0 $0xFFFF  }
0x6c: {  	[sflag:s0] =	ssyncadd.tile.s32 @!p0 $0x1;
	_ =	shalt  }
.Lfunc_end2:
_tile_overlayer_lowered:
.L_overlay_start_2:
0x6d: {  	(tag) =	ssettag $0x2  }
0x6e: {  	s0 =	rddreg [dreg:$0x0];
	s2 =	stileid.u32  }
0x6f: {  	s1 =	rddreg [dreg:$0x1];
	p0 =	sne.s32 s2, $0x0  }
0x70: {  	s3 =	rddreg [dreg:$0x2];
	[bflag:$0x3] =	sbarrier.arrive $0xFFFF;
	s2 =	simm.s32 @!p0 $0x1C01  }
0x71: {  	[timem:s3], [sflag:s2] =	dma.local @!p0 [hbm:s0], s1  }
0x72: {  	s0 =	simm.s32 @!p0 $0x1  }
0x73: {  	_ =	swait.ge @!p0 [sflag:s0], s1  }
0x74: {  	s1 =	ssub.s32 @!p0 $0x0, s1;
	[sflag:s0] =	ssyncset.done @!p0 $0x0  }
0x75: {  	[sflag:s0] =	ssyncadd.s32 @!p0 s1  }
0x76: {  	[bflag:$0x3] =	sbarrier.arrive $0xFFFF  }
0x77: {  	_ =	shalt  }

// kernel: scatter_offload_async_start
scs
__scs_entry_jumppad:
0x0: {  	(pc) =	sbr.rel $0x88, $3  }
0x1: {  	(tag) =	ssettag $0x0;
	lr =	simm.s32 $0x1  }
0x2: {  	[smem:$0x3F9E] =	sst lr;
	_ =	strace $0xD0000000  }
0x3: {  	_ = 	snop  }
0x4: {  	_ = 	snop  }
0x5: {  	_ = 	snop  }
0x6: {  	_ = 	snop  }
0x7: {  	_ = 	snop  }
__scs_overlays_trampoline_lowered:
0x8: {  	[smem:$0x3FAD] =	sst s0  }
0x9: {  	[smem:$0x3FAE] =	sst s1  }
0xa: {  	[smem:$0x3FAF] =	sst s2  }
0xb: {  	[smem:$0x3FB0] =	sst s3  }
0xc: {  	[smem:$0x3FB1] =	sst s4  }
0xd: {  	[smem:$0x3FB2] =	sst s5  }
0xe: {  	[smem:$0x3FB3] =	sst s6  }
0xf: {  	[smem:$0x3FB4] =	sst s7  }
0x10: {  	[smem:$0x3FB5] =	sst s8  }
0x11: {  	[smem:$0x3FB6] =	sst s9;
	s0 =	simm.s32 @!p0 $0x0  }
0x12: {  	s1 =	sld [smem:$0x3F9C];
	s0 =	simm.s32 @p0 $0x1  }
0x13: {  	[smem:$0x3FB7] =	sst s0;
	s0 =	simm.s32 @!p1 $0x0  }
0x14: {  	s2 =	sld [smem:$0x3F9B];
	s0 =	simm.s32 @p1 $0x1  }
0x15: {  	[smem:$0x3FB8] =	sst s0;
	s0 =	simm.s32 @!p2 $0x0  }
0x16: {  	s3 =	sld [smem:$0x3FDB];
	s0 =	simm.s32 @p2 $0x1  }
0x17: {  	s4 =	simm.s32 $0x1BF5;
	[smem:$0x3FBA] =	sst s0  }
0x18: {  	s0 =	sld [smem:$0x3F9D];
	_ =	swait.ge [sflag:s4], $0x0  }
0x19: {  	s7 =	sld [smem:$0x3F9E]  }
0x1a: {  	s8 =	sadd.s32 $0xFFFFE003, lr  }
0x1b: {  	s9 =	sadd.s32 $0xFFFFFEF7, lr;
	s5 =	simm.s32 $0xFFFFFFFF;
	p2 =	slt.u32 s8, $0xFFFFF086  }
0x1c: {  	p1 =	slt.u32 s9, $0xF7A;
	s5 =	simm.s32 @!p2 $0x0  }
0x1d: {  	s5 =	simm.s32 @p1 $0x1;
	p0 =	seq.s32 s7, s2  }
0x1e: {  	s7 =	smul.u32 @!p0 $0xF7A, s2;
	p2 =	seq.s32 @!p0 s5, $0x0  }
0x1f: {  	s9 =	smul.u32 $0xF7A, s1;
	s8 =	simm.s32 @!p0 $0x1BF5;
	p2 =	por !p2, p0  }
0x20: {  	[sflag:s8] =	ssyncset.s32 @!p0 $0xFFFFF086;
	s6 =	sadd.s32 @!p0 s3, s7;
	s7 =	simm.s32 @!p0 $0x108  }
0x21: {  	s3 =	sadd.s32 s3, s9;
	s6 =	sadd.s32 @!p0 $0x88, s6;
	s7 =	simm.s32 @p2 $0x1082  }
0x22: {  	[simem:s7], [sflag:s8] =	dma.local @!p0 [hbm:s6], $0xF7A  }
0x23: {  	s9 =	sor.u32 $0xD0000000, s2;
	s6 =	simm.s32 $0x108;
	_ =	swait.ge @!p0 [sflag:s8], $0x0  }
0x24: {  	s3 =	sadd.s32 $0x88, s3;
	s6 =	simm.s32 @!p1 $0x1082;
	[sflag:s4] =	ssyncset.s32 $0xFFFFF086  }
0x25: {  	[simem:s6], [sflag:s4] =	dma.local [hbm:s3], $0xF7A  }
0x26: {  	[smem:$0x3F9E] =	sst s1;
	(tag) =	ssettag s2;
	_ =	strace s9  }
0x27: {  	s1 =	sld [smem:$0x3FAE]  }
0x28: {  	s2 =	sld [smem:$0x3FAF]  }
0x29: {  	s4 =	sld [smem:$0x3FB1]  }
0x2a: {  	p0 =	seq.s32 s5, $0x0;
	s5 =	sld [smem:$0x3FB2]  }
0x2b: {  	s6 =	sld [smem:$0x3FB3]  }
0x2c: {  	s7 =	sld [smem:$0x3FB4]  }
0x2d: {  	s3 =	simm.s32 $0x108;
	s8 =	sld [smem:$0x3FB5]  }
0x2e: {  	s3 =	simm.s32 @!p0 $0x1082;
	s9 =	sld [smem:$0x3FB6]  }
0x2f: {  	lr =	sadd.s32 s0, s3;
	s0 =	sld [smem:$0x3FAD]  }
0x30: {  	s3 =	sld [smem:$0x3FB0]  }
0x31: {  	[smem:$0x3FB9] =	sst s10  }
0x32: {  	s10 =	sld [smem:$0x3FB7];
	_ =	sdelay $0x3  }
0x33: {  	p0 =	seq.s32 s10, $0x1;
	s10 =	sld [smem:$0x3FB9];
	_ =	sdelay $0x3  }
0x34: {  	[smem:$0x3FB9] =	sst s10  }
0x35: {  	s10 =	sld [smem:$0x3FB8];
	_ =	sdelay $0x3  }
0x36: {  	p1 =	seq.s32 s10, $0x1;
	s10 =	sld [smem:$0x3FB9];
	_ =	sdelay $0x3  }
0x37: {  	[smem:$0x3FB9] =	sst s10  }
0x38: {  	s10 =	sld [smem:$0x3FBA]  }
0x39: {  	_ = 	snop;
	(pc) =	sbr.ind lr, $3  }
0x3a: {  	_ = 	snop  }
0x3b: {  	_ = 	snop  }
0x3c: {  	p2 =	seq.s32 s10, $0x1;
	s10 =	sld [smem:$0x3FB9]  }
0x3d: {  	_ =	shalt  }
0x3e: {  	_ =	shalt  }
0x3f: {  	_ =	shalt  }
0x40: {  	_ =	shalt  }
0x41: {  	_ =	shalt  }
0x42: {  	_ =	shalt  }
0x43: {  	_ =	shalt  }
0x44: {  	_ =	shalt  }
0x45: {  	_ =	shalt  }
0x46: {  	_ =	shalt  }
0x47: {  	_ =	shalt  }
0x48: {  	_ =	shalt  }
0x49: {  	_ =	shalt  }
0x4a: {  	_ =	shalt  }
0x4b: {  	_ =	shalt  }
0x4c: {  	_ =	shalt  }
0x4d: {  	_ =	shalt  }
0x4e: {  	_ =	shalt  }
0x4f: {  	_ =	shalt  }
0x50: {  	_ =	shalt  }
0x51: {  	_ =	shalt  }
0x52: {  	_ =	shalt  }
0x53: {  	_ =	shalt  }
0x54: {  	_ =	shalt  }
0x55: {  	_ =	shalt  }
0x56: {  	_ =	shalt  }
0x57: {  	_ =	shalt  }
0x58: {  	_ =	shalt  }
0x59: {  	_ =	shalt  }
0x5a: {  	_ =	shalt  }
0x5b: {  	_ =	shalt  }
0x5c: {  	_ =	shalt  }
0x5d: {  	_ =	shalt  }
0x5e: {  	_ =	shalt  }
0x5f: {  	_ =	shalt  }
0x60: {  	_ =	shalt  }
0x61: {  	_ =	shalt  }
0x62: {  	_ =	shalt  }
0x63: {  	_ =	shalt  }
0x64: {  	_ =	shalt  }
0x65: {  	_ =	shalt  }
0x66: {  	_ =	shalt  }
0x67: {  	_ =	shalt  }
0x68: {  	_ =	shalt  }
0x69: {  	_ =	shalt  }
0x6a: {  	_ =	shalt  }
0x6b: {  	_ =	shalt  }
0x6c: {  	_ =	shalt  }
0x6d: {  	_ =	shalt  }
0x6e: {  	_ =	shalt  }
0x6f: {  	_ =	shalt  }
0x70: {  	_ =	shalt  }
0x71: {  	_ =	shalt  }
0x72: {  	_ =	shalt  }
0x73: {  	_ =	shalt  }
0x74: {  	_ =	shalt  }
0x75: {  	_ =	shalt  }
0x76: {  	_ =	shalt  }
0x77: {  	_ =	shalt  }
0x78: {  	_ =	shalt  }
0x79: {  	_ =	shalt  }
0x7a: {  	_ =	shalt  }
0x7b: {  	_ =	shalt  }
0x7c: {  	_ =	shalt  }
0x7d: {  	_ =	shalt  }
0x7e: {  	_ =	shalt  }
0x7f: {  	_ =	shalt  }
0x80: {  	_ =	shalt  }
0x81: {  	_ =	shalt  }
0x82: {  	_ =	shalt  }
0x83: {  	_ =	shalt  }
0x84: {  	_ =	shalt  }
0x85: {  	_ =	shalt  }
0x86: {  	_ =	shalt  }
0x87: {  	_ =	shalt  }
.Lfunc_end0:
.L_simem_size_0:
called_computation_lowered:
.L_overlay_start_0:
0x88: {  	s0 =	sld [smem:$0x3FD9]  }
0x89: {  	s1 =	sld [smem:$0x3FFE];
	_ =	sdelay $0x3  }
0x8a: {  	s0 =	sadd.s32 s1, s0  }
0x8b: {  	[smem:$0x3FC5] =	sst s0  }
0x8c: {  	_ = 	snop  }
0x8d: {  	s0 =	sld [smem:$0x3FD0];
	_ =	sdelay $0x2  }
0x8e: {  	s13 =	simm.s32 $0xA;
	s2 =	simm.s32 $0x10  }
0x8f: {  	[smem:s2], [sflag:s13] =	dma.local [hbm:s0], $0x1  }
0x90: {  	_ =	swait.eq [sflag:s13], $0x1  }
0x91: {  	[sflag:s13] =	ssyncset.done $0x0  }
0x92: {  	[sflag:s13] =	ssyncadd.s32 $0xFFFFFFFF  }
0x93: {  	s14 =	sld [smem:$0x11];
	(tm) =	ssettm $0x1  }
0x94: {  	s15 =	sld [smem:$0x3FFB];
	_ =	sdelay $0x3  }
0x95: {  	_ =	strace s15  }
0x96: {  	s1 =	sld [smem:$0x3FFC];
	_ =	sdelay $0x3  }
0x97: {  	_ =	strace s1  }
0x98: {  	s1 =	sld [smem:$0x3FFD];
	_ =	sdelay $0x3  }
0x99: {  	_ =	strace s1  }
0x9a: {  	_ =	strace $0x8FFFFFFF  }
0x9b: {  	s16 =	sld [smem:$0x3FDB];
	_ =	sdelay $0x1  }
0x9c: {  	s17 =	simm.s32 $_scs_section_size  }
0x9d: {  	s3 =	simm.s32 $_size__tile_overlayer_lowered;
	s4 =	simm.s32 $_tile_overlayer_lowered  }
0x9e: {  	s20 =	simm.s32 $0x1BFF;
	s19 =	sshll.u32 s4, $0x1;
	s1 =	sadd.s32 s17, s16  }
0x9f: {  	s5 =	simm.s32 $0x0;
	s18 =	sshll.u32 s3, $0x1;
	s3 =	sadd.s32 s19, s1  }
0xa0: {  	[timem:s5], [sflag:s20] =	dma.local [hbm:s3], s18  }
0xa1: {  	_ =	swait.ge [sflag:s20], s18  }
0xa2: {  	s2 =	ssub.s32 $0x0, s18;
	[sflag:s20] =	ssyncset.done $0x0  }
0xa3: {  	[sflag:s20] =	ssyncadd.s32 s2;
	_ =	sdelay $0x1  }
0xa4: {  	s21 =	simm.s32 $0x1B8B  }
0xa5: {  	_ =	swait.ge [sflag:s21], $0x1  }
0xa6: {  	[sflag:s21] =	ssyncset.done $0x0  }
0xa7: {  	s23 =	simm.s32 $0x1B8E;
	s22 =	sld [smem:$0x3FFE];
	[sflag:s21] =	ssyncadd.s32 $0xFFFFFFFF  }
0xa8: {  	s24 =	simm.s32 $execute0_lowered;
	[smem:$0x3FD2] =	sst s23  }
0xa9: {  	s3 =	sshll.u32 s24, $0x1;
	_ =	strace $0x80000046;
	[dreg:$0x1] =	wrdreg $0xFFFFFFFF  }
0xaa: {  	s25 =	simm.s32 $_size_execute0_lowered;
	s1 =	sadd.s32 s1, s3;
	[dreg:$0x0] =	wrdreg $0x0  }
0xab: {  	s3 =	sshll.u32 s25, $0x1;
	[dreg:$0x2] =	wrdreg s1  }
0xac: {  	[dreg:$0x3] =	wrdreg s3  }
0xad: {  	[dreg:$0x4] =	wrdreg $0xC0  }
0xae: {  	_ =	task [dreg:s5], $0x5FFFF  }
0xaf: {  	[dreg:$0x1] =	wrdreg $0xFFFFFFFF  }
0xb0: {  	[dreg:$0x0] =	wrdreg $0x60  }
0xb1: {  	[dreg:$0x2] =	wrdreg s14  }
0xb2: {  	[dreg:$0x3] =	wrdreg s22  }
0xb3: {  	[dreg:$0x4] =	wrdreg $0x9  }
0xb4: {  	_ =	task.clear_ibuf [dreg:s5], $0x5FFFF;
	_ =	strace $0x90000046  }
0xb5: {  	s26 =	simm.s32 $0x9;
	_ =	strace $0x80000048  }
0xb6: {  	_ =	swait.ge [sflag:s26], $0x1  }
0xb7: {  	[sflag:s26] =	ssyncadd.s32 $0xFFFFFFFF  }
0xb8: {  	_ =	strace $0x90000048  }
0xb9: {  	_ =	sfence  }
0xba: {  	s28 =	sld [smem:$0x0];
	_ =	sdelay $0x1  }
0xbb: {  	s29 =	srdreg.scid  }
0xbc: {  	s30 =	sshll.u32 s29, $0xD;
	s31 =	sshrl.u32 s29, $0x2  }
0xbd: {  	s2 =	sand.u32 $0x4000, s30;
	s1 =	sand.u32 $0x1, s29;
	s0 =	sadd.s32 s31, s28  }
0xbe: {  	s1 =	sor.u32 s2, s1;
	s0 =	sshll.u32 s0, $0x11  }
0xbf: {  	s0 =	sor.u32 s0, s1  }
0xc0: {  	s0 =	sadd.s32 $0x8F2B, s0  }
0xc1: {  	[sflag:s0] =	ssyncadd.remote.s32 $0x1  }
0xc2: {  	_ =	sfence.sel $0xFFFF  }
0xc3: {  	[dreg:$0x0] =	wrdreg $0xFFFFFFFF;
	(pc) =	sbr.abs _section_cstart, $3  }
0xc4: {  	[dreg:$0x1] =	wrdreg $0xFFFFFFFF  }
0xc5: {  	_ =	task.clear_ibuf [dreg:s5], $0x2FFFF;
	_ =	strace $0x9FFFFFFF  }
0xc6: {  	(tm) =	ssettm $0x7FFFFFFF  }
0xc7: {  	_ =	shalt  }
tec
execute0_lowered:
.L_overlay_start_1:
0x0: {  	(tag) =	ssettag $0x1  }
0x1: {  	s1 =	rddreg [dreg:$0x0]  }
0x2: {  	s7 =	rddreg [dreg:$0x1]  }
0x3: {  	s0 =	rddreg [dreg:$0x2]  }
0x4: {  	s3 =	stileid.u32;
	_ =	strace $0x80000047;
	s4 =	simm.s32 $0x3E  }
0x5: {  	p0 =	sne.s32 s3, $0x0;
	[sflag:s4] =	ssyncpa.u1 $0x0  }
0x6: {  	s30 =	smin.u32 s3, $0x9;
	s2 =	simm.s32 @!p0 $0x1C3E;
	s5 =	simm.s32 @!p0 $0x0  }
0x7: {  	[spmem:s5], [sflag:s2] =	dma.local @!p0 [hbm:s1], $0x200  }
0x8: {  	s2 =	sadd.s32 s3, s30  }
0x9: {  	p1 =	slt.u32 s3, $0x9;
	s3 =	simm.s32 $0x640;
	s2 =	smul.u32 $0x320, s2  }
0xa: {  	s3 =	simm.s32 @!p1 $0x320  }
0xb: {  	s3 =	sadd.s32 s3, s2  }
0xc: {  	s3 =	smin.u32 s3, $0x4E20  }
0xd: {  	s8 =	ssub.s32 s3, s2  }
0xe: {  	p1 =	sgt.s32 s8, $0x0  }
0xf: {  	s8 =	simm.s32 @!p1 $0x0  }
0x10: {  	s6 =	sand.u32 $0xFFE0, s8  }
0x11: {  	s5 =	simm.s32 @!p0 $0x3E;
	s6 =	sshrl.u32 s6, $0x5  }
0x12: {  	_ =	swait.ge @!p0 [sflag:s5], $0x200;
	s31 =	smul.u32 $0xA3E, s6  }
0x13: {  	[sflag:s5] =	ssyncset.done @!p0 $0x0  }
0x14: {  	[sflag:s5] =	ssyncadd.s32 @!p0 $0xFFFFFE00;
	s9 =	sshrl.u32 s31, $0x10  }
0x15: {  	s11 =	simm.s32 $0x0;
	[bflag:$0x0] =	sbarrier.arrive $0xFFFF;
	s10 =	smul.u32 $0x320, s9  }
.Ltmp0:
0x16: {  	[sflag:s4] =	ssyncpa.u1 $0x1;
	s4 =	simm.s32 $0x1;
	(pc) =	sbr.rel .LBB2_1-.Ltmp0, $4  }
0x17: {  	s5 =	sadd.s32 $0xA00, s7;
	s7 =	sadd.s32 $0x4F600, s7;
	[sflag:s4] =	ssyncpa.u1 $0x0  }
0x18: {  	s6 =	simm.s32 $0x2;
	p1 =	sne.s32 s8, s10;
	s8 =	simm.s32 $0x1  }
0x19: {  	(ifvalue) =	ssetifvalue $0x1000;
	[sflag:s6] =	ssyncpa.u1 $0x0;
	s8 =	simm.s32 @!p1 $0x0  }
0x1a: {  	vm0 =	vmmov $0xffff;
	s10 =	smov.u32 s2;
	s8 =	sadd.s32 s9, s8;
	s9 =	simm.s32 $0x0  }
.LBB2_5:
0x1b: {  	p2 =	sne.s32 s11, s8  }
.Ltmp1:
0x1c: {  	_ = 	snop;
	(pc) =	sbr.rel @!p2 .LBB2_6-.Ltmp1, $4  }
0x1d: {  	_ = 	snop  }
0x1e: {  	s12 =	sadd.s32 $0x320, s10  }
0x1f: {  	s10 =	smov.u32 s2;
	s13 =	sadd.s32 $0x1, s11;
	p1 =	slt.s32 s12, s3  }
0x20: {  	s11 =	smov.u32 s13;
	s10 =	smov.u32 @p1 s12  }
.LBB2_1:
0x21: {  	p1 =	sge.u32 s11, s8  }
0x22: {  	s12 =	sxor.u32 @!p1 $0xFFFFFFFF, s11  }
0x23: {  	s12 =	sand.u32 @!p1 $0x1, s12  }
0x24: {  	s12 =	smul.u32 @!p1 $0x320, s12  }
0x25: {  	s13 =	sshrl.u32 @!p1 s10, $0x3  }
0x26: {  	s16 =	sand.u32 @!p1 $0x7, s10;
	s14 =	sadd.s32 @!p1 s5, s13;
	s15 =	sadd.s32 @!p1 $0x100, s12  }
0x27: {  	[tilespmem:s15], [sflag:$0x2] =	stream.linear.gather @!p1 [hbm4b:s14+s16], $0x320, $0x38;
	[tilespmem:$0xD80] =	vst v63  }
0x28: {  	s13 =	sadd.s32 @!p1 s7, s13;
	s12 =	sadd.s32 @!p1 $0x740, s12  }
0x29: {  	[tilespmem:s12], [sflag:$0x2] =	stream.linear.gather @!p1 [hbm4b:s13+s16], $0x320, $0x38;
	[tilespmem:$0xD80] =	vst v63  }
0x2a: {  	p1 =	seq.s32 s11, $0x0  }
.Ltmp2:
0x2b: {  	_ = 	snop;
	(pc) =	sbr.rel @p1 .LBB2_5-.Ltmp2, $1  }
0x2c: {  	_ =	sdelay $0x3  }
0x2d: {  	s12 =	sand.u32 $0x1, s11  }
0x2e: {  	_ =	swait.ge [sflag:s6], $0x640;
	p1 =	seq.s32 s12, $0x1;
	s12 =	simm.s32 $0x320  }
0x2f: {  	[sflag:s6] =	ssyncset.done $0x0;
	s12 =	simm.s32 @!p1 $0x0  }
0x30: {  	[sflag:s6] =	ssyncadd.s32 $0xFFFFF9C0;
	s14 =	sadd.s32 $0x100, s12  }
0x31: {  	v0 =	vld.msk [tilespmem:s14+$0x0 ss:$0x1], $0xffff;
	_ =	sdelay $0x4  }
0x32: {  	v0 =	vmin.u32 v0, $0x1000;
	_ =	sdelay $0x3  }
0x33: {  	s13 =	simm.s32 $0x0;
	s12 =	sadd.s32 $0x740, s12;
	s14 =	sadd.s32 $0x10, s14  }
0x34: {  	[spmem:s9] =	stream.indirect_vreg.scatter.add.s32 [tilespmem:s12], [sflag:$0x1], $0x1, v0, vm0, $0x4038;
	[tilespmem:$0xD80] =	vst v63  }
.LBB2_3:
0x35: {  	v0 =	vld.msk [tilespmem:s14+$0x0 ss:$0x1], $0xffff;
	s13 =	sadd.s32 $0x10, s13  }
0x36: {  	p1 =	slt.u32 s13, $0x310;
	_ =	sdelay $0x4  }
0x37: {  	v0 =	vmin.u32 v0, $0x1000  }
.Ltmp3:
0x38: {  	(pc) =	sbr.rel @p1 .LBB2_3-.Ltmp3, $3  }
0x39: {  	_ =	sdelay $0x1  }
0x3a: {  	s14 =	sadd.s32 $0x10, s14;
	s12 =	sadd.s32 $0x10, s12  }
0x3b: {  	[spmem:s9] =	stream.indirect_vreg.scatter.add.s32 [tilespmem:s12], [sflag:$0x1], $0x1, v0, vm0, $0x4038;
	[tilespmem:$0xD80] =	vst v63  }
.Ltmp4:
0x3c: {  	(pc) =	sbr.rel .LBB2_5-.Ltmp4, $4  }
0x3d: {  	_ = 	snop  }
0x3e: {  	_ =	swait.ge [sflag:s4], $0x320  }
0x3f: {  	[sflag:s4] =	ssyncset.done $0x0  }
0x40: {  	[sflag:s4] =	ssyncadd.s32 $0xFFFFFCE0  }
.LBB2_6:
0x41: {  	_ =	sfence.sel $0x180000  }
0x42: {  	s2 =	simm.s32 $0x2;
	[bflag:$0x0] =	sbarrier.arrive $0xFFFF  }
0x43: {  	s30 =	simm.s32 $0x1;
	[sflag:s2] =	ssyncpa.u1 $0x1  }
0x44: {  	[sflag:s30] =	ssyncpa.u1 $0x1  }
0x45: {  	_ =	sfence.stream.spmem  }
0x46: {  	s31 =	simm.s32 $0x3D;
	[bflag:$0x0] =	sbarrier.arrive $0xFFFF  }
0x47: {  	s2 =	simm.s32 @p0 $0x3D;
	[sflag:s31] =	ssyncpa.u1 $0x0  }
0x48: {  	[sflag:s2] =	ssyncpa.u1 @p0 $0x1  }
0x49: {  	[bflag:$0x0] =	sbarrier.arrive @p0 $0xFFFF  }
0x4a: {  	_ =	strace @p0 $0x90000047  }
0x4b: {  	s3 =	simm.s32 @!p0 $0x1C3D;
	s2 =	simm.s32 @!p0 $0x0;
	[bflag:$0x2] =	sbarrier.arrive @p0 $0xFFFF  }
0x4c: {  	[hbm:s1], [sflag:s3] =	dma.local @!p0 [spmem:s2], $0x200  }
0x4d: {  	s1 =	simm.s32 @!p0 $0x3D  }
0x4e: {  	_ =	swait.ge @!p0 [sflag:s1], $0x200  }
0x4f: {  	[sflag:s1] =	ssyncset.done @!p0 $0x0  }
0x50: {  	[sflag:s1] =	ssyncadd.s32 @!p0 $0xFFFFFE00  }
0x51: {  	[sflag:s1] =	ssyncpa.u1 @!p0 $0x1  }
0x52: {  	[bflag:$0x0] =	sbarrier.arrive @!p0 $0xFFFF  }
0x53: {  	_ =	strace @!p0 $0x90000047  }
0x54: {  	s0 =	sadd.s32 @!p0 $0x100000, s0;
	[bflag:$0x2] =	sbarrier.arrive @!p0 $0xFFFF  }
0x55: {  	[sflag:s0] =	ssyncadd.tile.s32 @!p0 $0x1;
	_ =	shalt  }
.Lfunc_end2:
_tile_overlayer_lowered:
.L_overlay_start_2:
0x56: {  	(tag) =	ssettag $0x2  }
0x57: {  	s0 =	rddreg [dreg:$0x0];
	s2 =	stileid.u32  }
0x58: {  	s1 =	rddreg [dreg:$0x1];
	p0 =	sne.s32 s2, $0x0  }
0x59: {  	s3 =	rddreg [dreg:$0x2];
	[bflag:$0x3] =	sbarrier.arrive $0xFFFF;
	s2 =	simm.s32 @!p0 $0x1C01  }
0x5a: {  	[timem:s3], [sflag:s2] =	dma.local @!p0 [hbm:s0], s1  }
0x5b: {  	s0 =	simm.s32 @!p0 $0x1  }
0x5c: {  	_ =	swait.ge @!p0 [sflag:s0], s1  }
0x5d: {  	s1 =	ssub.s32 @!p0 $0x0, s1;
	[sflag:s0] =	ssyncset.done @!p0 $0x0  }
0x5e: {  	[sflag:s0] =	ssyncadd.s32 @!p0 s1  }
0x5f: {  	[bflag:$0x3] =	sbarrier.arrive $0xFFFF  }
0x60: {  	_ =	shalt  }

</sc_bundles>
